<compile_context>
chip_gen: v7x
topology: tpu7x:2x2x1
jax: 0.10.2.dev20260603
libtpu: 0.0.44.dev20260713+nightly
codegen_flags: <defaults>
</compile_context>

<pallas_src>
import functools

import jax
import jax.numpy as jnp
from jax import lax
from jax.experimental import pallas as pl
from jax.experimental.pallas import tpu as pltpu
from jax.experimental.pallas import tpu_sc as plsc

N_NODES = 10000
IN_DIM = 128
OUT_DIM = 128
N_EDGES = 320000

NC = 2
NS = 16
NW = NC * NS
LANES = 16
CHUNK = 128
SUPER = 1
SCH = SUPER * CHUNK
K = 80
E_PAD = NW * K * SCH
ROWS_PER_TILE = 624
SLAB = ((0, 128), (128, 128), (256, 128), (384, 128), (512, 112))


def _sc_body(xh_hbm, src_hbm, dst_hbm, ew_hbm, out_hbm,
             sidx00, sidx10, didx00, didx10,
             ewv0, ewv1, rows0, rows1, acc,
             sg0, sg1, ss0, ss1):
    cid = lax.axis_index("c")
    sid = lax.axis_index("s")
    wid = cid * NS + sid
    sidx = ((sidx00,), (sidx10,))
    didx = ((didx00,), (didx10,))
    ewv = (ewv0, ewv1)
    rows = (rows0, rows1)
    sg = (sg0, sg1)
    ss = (ss0, ss1)

    zero = jnp.zeros((LANES,), jnp.float32)
    ebase = wid * K * SCH

    def _stage(c, b):
        e0 = ebase + c * SCH
        for j in range(SUPER):
            pltpu.sync_copy(src_hbm.at[pl.ds(e0 + j * CHUNK, CHUNK)],
                            sidx[b][j])
            pltpu.sync_copy(dst_hbm.at[pl.ds(e0 + j * CHUNK, CHUNK)],
                            didx[b][j])
        pltpu.sync_copy(ew_hbm.at[pl.ds(e0 * LANES, SCH * LANES)], ewv[b])
        for j in range(SUPER):
            pltpu.make_async_copy(xh_hbm.at[sidx[b][j]],
                                  rows[b].at[pl.ds(j * CHUNK, CHUNK)],
                                  sg[b]).start()

    def _wait_gather(b):
        for j in range(SUPER):
            pltpu.make_async_copy(xh_hbm.at[sidx[b][j]],
                                  rows[b].at[pl.ds(j * CHUNK, CHUNK)],
                                  sg[b]).wait()

    def _start_scatter(b):
        for j in range(SUPER):
            pltpu.make_async_copy(rows[b].at[pl.ds(j * CHUNK, CHUNK)],
                                  acc.at[didx[b][j]],
                                  ss[b]).start(add=True)

    def _wait_scatter(b):
        for j in range(SUPER):
            pltpu.make_async_copy(rows[b].at[pl.ds(j * CHUNK, CHUNK)],
                                  acc.at[didx[b][j]],
                                  ss[b]).wait()

    _stage(0, 0)

    @pl.loop(0, CHUNK)
    def _zrow(r):
        for c in range(OUT_DIM // LANES):
            rows1[r, pl.ds(c * LANES, LANES)] = zero
    base = sid * ROWS_PER_TILE
    for off, n in SLAB:
        pltpu.sync_copy(rows1.at[pl.ds(0, n)], acc.at[pl.ds(base + off, n)])

    @pl.when(sid == NS - 1)
    def _zero_tail():
        pltpu.sync_copy(rows1.at[pl.ds(0, N_NODES - NS * ROWS_PER_TILE)],
                        acc.at[pl.ds(NS * ROWS_PER_TILE,
                                     N_NODES - NS * ROWS_PER_TILE)])
    plsc.subcore_barrier()

    @pl.loop(0, K // 2)
    def _pair(j):
        for b in (0, 1):
            nb = 1 - b
            c = 2 * j + b

            @pl.when(c + 1 < K)
            def _prefetch():
                @pl.when(c >= 1)
                def _drain_prev_scatter():
                    _wait_scatter(nb)
                _stage(c + 1, nb)

            _wait_gather(b)

            _start_scatter(b)

    _wait_scatter(0)
    _wait_scatter(1)

    plsc.subcore_barrier()
    for off, n in SLAB:
        pltpu.sync_copy(acc.at[pl.ds(base + off, n)],
                        out_hbm.at[cid, pl.ds(base + off, n)])

    @pl.when(sid == NS - 1)
    def _write_tail():
        tail0 = NS * ROWS_PER_TILE
        ntail = N_NODES - tail0
        pltpu.sync_copy(acc.at[pl.ds(tail0, ntail)],
                        out_hbm.at[cid, pl.ds(tail0, ntail)])


_sc_call = pl.kernel(
    _sc_body,
    out_type=jax.ShapeDtypeStruct((NC, N_NODES, OUT_DIM), jnp.float32),
    mesh=plsc.VectorSubcoreMesh(core_axis_name="c", subcore_axis_name="s"),
    scratch_types=(
        [pltpu.VMEM((CHUNK,), jnp.int32)] * 4
        + [pltpu.VMEM((SCH * LANES,), jnp.float32)] * 2
        + [pltpu.VMEM((SCH, OUT_DIM), jnp.float32)] * 2
        + [
            pltpu.VMEM_SHARED((N_NODES, OUT_DIM), jnp.float32),
            pltpu.SemaphoreType.DMA,
            pltpu.SemaphoreType.DMA,
            pltpu.SemaphoreType.DMA,
            pltpu.SemaphoreType.DMA,
        ]
    ),
)


def _sc_edges(xh, src1, dst1, ew1):
    return _sc_call(xh, src1, dst1, ew1)


def _fin_body(a_ref, p_ref, w_ref, o_ref):
    s = p_ref[0] + p_ref[1]
    h = jnp.dot(s, w_ref[...], preferred_element_type=jnp.float32)
    slope = a_ref[0, 0]
    o_ref[...] = jnp.where(h > 0, h, slope * h)


def _finish(a2, partial, W):
    bm = 1000
    return pl.pallas_call(
        _fin_body,
        grid=(N_NODES // bm,),
        in_specs=[
            pl.BlockSpec(memory_space=pltpu.SMEM),
            pl.BlockSpec((NC, bm, IN_DIM), lambda i: (0, i, 0)),
            pl.BlockSpec((IN_DIM, OUT_DIM), lambda i: (0, 0)),
        ],
        out_specs=pl.BlockSpec((bm, OUT_DIM), lambda i: (i, 0)),
        out_shape=jax.ShapeDtypeStruct((N_NODES, OUT_DIM), jnp.float32),
    )(a2, partial, W)


@jax.jit
def kernel(x, edge_index, edge_weight, W, a):
    dst = edge_index[0].astype(jnp.int32)
    src = edge_index[1].astype(jnp.int32)
    ew = edge_weight.astype(jnp.float32)
    pad = E_PAD - N_EDGES
    src1 = jnp.pad(src, (0, pad))
    dst1 = jnp.pad(dst, (0, pad))
    ew1 = jnp.pad(ew, (0, pad))
    ew16 = jnp.broadcast_to(ew1[:, None], (E_PAD, LANES)).reshape(-1)

    partial = _sc_edges(x, src1, dst1, ew16)

    a2 = jnp.reshape(a, (1, 1)).astype(jnp.float32)
    return _finish(a2, partial, W)

# --- scband reference (transcript-rebuilt; emitter-appended) ---
"""Pipeline reference for scband-graph-conv-12515534700966 (READ-ONLY COPY).

The authoritative reference and input builder live on the scoring server;
editing this copy changes nothing except your own understanding.
"""

import jax, jax.numpy as jnp
import numpy as np

N_NODES = 10000
N_EDGES = 320000
IN_DIM = 128
OUT_DIM = 128

def setup_inputs(seed: int = 0) -> dict:
    key = jax.random.key(seed)
    k1, k2, k3, k4 = jax.random.split(key, 4)
    x = jax.random.normal(k1, (N_NODES, IN_DIM), dtype=jnp.float32)
    edge_index = jax.random.randint(k2, (2, N_EDGES), 0, N_NODES, dtype=jnp.int64)
    edge_weight = jax.random.uniform(k3, (N_EDGES,), dtype=jnp.float32)
    # Learned params: weight ~ U(-stdv, stdv) with stdv = 1/sqrt(output_dim); PReLU slope a=0.25
    stdv = 1.0 / np.sqrt(OUT_DIM)
    W = jax.random.uniform(k4, (IN_DIM, OUT_DIM), dtype=jnp.float32, minval=-stdv, maxval=stdv)
    a = jnp.array(0.25, dtype=jnp.float32)
    return {"x": x, "edge_index": edge_index, "edge_weight": edge_weight, "W": W, "a": a}

def reference(x, edge_index, edge_weight, W, a):
    # x_hidden = gc_drop(x @ W); gc_drop=0 -> identity (eval mode)
    x_hidden = jnp.dot(x, W)
    # torch.spmm(adj, x_hidden): adj rows = dst (edge_index[0]), cols = src (edge_index[1])
    dst = edge_index[0]
    src = edge_index[1]
    msgs = edge_weight[:, None] * jnp.take(x_hidden, src, axis=0)
    agg = jax.ops.segment_sum(msgs, dst, num_segments=N_NODES)
    # PReLU with single shared learnable slope a
    out = jnp.where(agg > 0, agg, a * agg)
    return out

if __name__ == "__main__":
    import jax
    _d = setup_inputs()
    print(jax.jit(kernel)(*tuple(_d.values())))

</pallas_src>

<mosaic_0001>
#map = affine_map<(d0, d1) -> (0, 0)>
#map1 = affine_map<(d0, d1) -> (0)>
#map2 = affine_map<(d0, d1) -> (0, 0, 0)>
module attributes {stable_mosaic.version = 14 : i64} {
  func.func @_sc_body(%arg0: i32, %arg1: i32, %arg2: memref<10000x128xf32, #tpu.memory_space<hbm>>, %arg3: memref<327680xi32, #tpu.memory_space<hbm>>, %arg4: memref<327680xi32, #tpu.memory_space<hbm>>, %arg5: memref<5242880xf32, #tpu.memory_space<hbm>>, %arg6: memref<2x10000x128xf32, #tpu.memory_space<hbm>>, %arg7: memref<128xi32, #tpu.memory_space<vmem>>, %arg8: memref<128xi32, #tpu.memory_space<vmem>>, %arg9: memref<128xi32, #tpu.memory_space<vmem>>, %arg10: memref<128xi32, #tpu.memory_space<vmem>>, %arg11: memref<2048xf32, #tpu.memory_space<vmem>>, %arg12: memref<2048xf32, #tpu.memory_space<vmem>>, %arg13: memref<128x128xf32, #tpu.memory_space<vmem>>, %arg14: memref<128x128xf32, #tpu.memory_space<vmem>>, %arg15: memref<10000x128xf32, #tpu.memory_space<vmem_shared>>, %arg16: memref<!tpu.dma_semaphore, #tpu.memory_space<semaphore_mem>>, %arg17: memref<!tpu.dma_semaphore, #tpu.memory_space<semaphore_mem>>, %arg18: memref<!tpu.dma_semaphore, #tpu.memory_space<semaphore_mem>>, %arg19: memref<!tpu.dma_semaphore, #tpu.memory_space<semaphore_mem>>) attributes {dimension_semantics = [#tpu.dimension_semantics<core_parallel>, #tpu.dimension_semantics<subcore_parallel>], iteration_bounds = array<i64: 2, 16>, scalar_prefetch = 0 : i64, scratch_operands = 13 : i64, tpu.core_type = #tpu.core_type<sc_vector_subcore>, window_params = [{transform_indices = #map}, {transform_indices = #map1}, {transform_indices = #map1}, {transform_indices = #map1}, {transform_indices = #map2}]} {
    %mul3A = arith.constant 16 : i32
    %mul3A_0 = arith.muli %arg0, %mul3A : i32
    %add3A = arith.addi %mul3A_0, %arg1 : i32
    %broadcast_in_dim3A = arith.constant 0.000000e+00 : f32
    %broadcast_in_dim3A_1 = vector.broadcast %broadcast_in_dim3A : f32 to vector<16xf32>
    %mul3A_2 = arith.constant 80 : i32
    %mul3A_3 = arith.muli %add3A, %mul3A_2 : i32
    %mul3A_4 = arith.constant 128 : i32
    %mul3A_5 = arith.muli %mul3A_3, %mul3A_4 : i32
    %add3A_6 = arith.constant 0 : i32
    %add3A_7 = arith.addi %mul3A_5, %add3A_6 : i32
    %add3A_8 = arith.constant 0 : i32
    %add3A_9 = arith.addi %add3A_7, %add3A_8 : i32
    "tpu.region"() ({
      %run_scoped3A = tpu.sem_alloc : memref<!tpu.dma_semaphore, #tpu.memory_space<semaphore_mem>>
      %dma_start3A_79 = tpu.memref_slice %arg3[%add3A_9] : memref<327680xi32, #tpu.memory_space<hbm>> -> memref<128xi32, #tpu.memory_space<hbm>>
      %dma_start3A_80 = tpu.memref_slice %arg3[%add3A_9] : memref<327680xi32, #tpu.memory_space<hbm>> -> memref<128xi32, #tpu.memory_space<hbm>>
      tpu.enqueue_dma source(%dma_start3A_80 : memref<128xi32, #tpu.memory_space<hbm>>) target(%arg7 : memref<128xi32, #tpu.memory_space<vmem>>) target_semaphore(%run_scoped3A : memref<!tpu.dma_semaphore, #tpu.memory_space<semaphore_mem>>)
      %dma_wait3A_81 = tpu.memref_slice %arg3[%add3A_9] : memref<327680xi32, #tpu.memory_space<hbm>> -> memref<128xi32, #tpu.memory_space<hbm>>
      %dma_wait3A_82 = tpu.memref_slice %arg3[%add3A_9] : memref<327680xi32, #tpu.memory_space<hbm>> -> memref<128xi32, #tpu.memory_space<hbm>>
      tpu.wait_dma2 semaphore(%run_scoped3A : memref<!tpu.dma_semaphore, #tpu.memory_space<semaphore_mem>>) src(%dma_wait3A_82 : memref<128xi32, #tpu.memory_space<hbm>>) dst(%arg7 : memref<128xi32, #tpu.memory_space<vmem>>)
      tpu.yield
    }) : () -> ()
    %add3A_10 = arith.constant 0 : i32
    %add3A_11 = arith.addi %add3A_7, %add3A_10 : i32
    "tpu.region"() ({
      %run_scoped3A = tpu.sem_alloc : memref<!tpu.dma_semaphore, #tpu.memory_space<semaphore_mem>>
      %dma_start3A_79 = tpu.memref_slice %arg4[%add3A_11] : memref<327680xi32, #tpu.memory_space<hbm>> -> memref<128xi32, #tpu.memory_space<hbm>>
      %dma_start3A_80 = tpu.memref_slice %arg4[%add3A_11] : memref<327680xi32, #tpu.memory_space<hbm>> -> memref<128xi32, #tpu.memory_space<hbm>>
      tpu.enqueue_dma source(%dma_start3A_80 : memref<128xi32, #tpu.memory_space<hbm>>) target(%arg9 : memref<128xi32, #tpu.memory_space<vmem>>) target_semaphore(%run_scoped3A : memref<!tpu.dma_semaphore, #tpu.memory_space<semaphore_mem>>)
      %dma_wait3A_81 = tpu.memref_slice %arg4[%add3A_11] : memref<327680xi32, #tpu.memory_space<hbm>> -> memref<128xi32, #tpu.memory_space<hbm>>
      %dma_wait3A_82 = tpu.memref_slice %arg4[%add3A_11] : memref<327680xi32, #tpu.memory_space<hbm>> -> memref<128xi32, #tpu.memory_space<hbm>>
      tpu.wait_dma2 semaphore(%run_scoped3A : memref<!tpu.dma_semaphore, #tpu.memory_space<semaphore_mem>>) src(%dma_wait3A_82 : memref<128xi32, #tpu.memory_space<hbm>>) dst(%arg9 : memref<128xi32, #tpu.memory_space<vmem>>)
      tpu.yield
    }) : () -> ()
    %mul3A_12 = arith.constant 16 : i32
    %mul3A_13 = arith.muli %add3A_7, %mul3A_12 : i32
    "tpu.region"() ({
      %run_scoped3A = tpu.sem_alloc : memref<!tpu.dma_semaphore, #tpu.memory_space<semaphore_mem>>
      %dma_start3A_79 = tpu.memref_slice %arg5[%mul3A_13] : memref<5242880xf32, #tpu.memory_space<hbm>> -> memref<2048xf32, #tpu.memory_space<hbm>>
      %dma_start3A_80 = tpu.memref_slice %arg5[%mul3A_13] : memref<5242880xf32, #tpu.memory_space<hbm>> -> memref<2048xf32, #tpu.memory_space<hbm>>
      tpu.enqueue_dma source(%dma_start3A_80 : memref<2048xf32, #tpu.memory_space<hbm>>) target(%arg11 : memref<2048xf32, #tpu.memory_space<vmem>>) target_semaphore(%run_scoped3A : memref<!tpu.dma_semaphore, #tpu.memory_space<semaphore_mem>>)
      %dma_wait3A_81 = tpu.memref_slice %arg5[%mul3A_13] : memref<5242880xf32, #tpu.memory_space<hbm>> -> memref<2048xf32, #tpu.memory_space<hbm>>
      %dma_wait3A_82 = tpu.memref_slice %arg5[%mul3A_13] : memref<5242880xf32, #tpu.memory_space<hbm>> -> memref<2048xf32, #tpu.memory_space<hbm>>
      tpu.wait_dma2 semaphore(%run_scoped3A : memref<!tpu.dma_semaphore, #tpu.memory_space<semaphore_mem>>) src(%dma_wait3A_82 : memref<2048xf32, #tpu.memory_space<hbm>>) dst(%arg11 : memref<2048xf32, #tpu.memory_space<vmem>>)
      tpu.yield
    }) : () -> ()
    %dma_start3A = arith.constant 0 : i32
    %dma_start3A_14 = arith.constant 0 : i32
    %dma_start3A_15 = tpu.memref_slice %arg13[%dma_start3A, %dma_start3A_14] : memref<128x128xf32, #tpu.memory_space<vmem>> -> memref<128x128xf32, #tpu.memory_space<vmem>>
    %dma_start3A_16 = arith.constant 0 : i32
    %dma_start3A_17 = arith.constant 0 : i32
    %dma_start3A_18 = tpu.memref_slice %arg2[%dma_start3A_16, %dma_start3A_17] : memref<10000x128xf32, #tpu.memory_space<hbm>> -> memref<10000x128xf32, #tpu.memory_space<hbm>>
    tpu.enqueue_indirect_dma source(%dma_start3A_18 : memref<10000x128xf32, #tpu.memory_space<hbm>>) target(%dma_start3A_15 : memref<128x128xf32, #tpu.memory_space<vmem>>) offsets(%arg7 : memref<128xi32, #tpu.memory_space<vmem>>) semaphore(%arg16 : memref<!tpu.dma_semaphore, #tpu.memory_space<semaphore_mem>>)
    %scan3A = arith.constant 0 : i32
    %scan3A_19 = arith.constant 128 : i32
    %scan3A_20 = arith.addi %scan3A, %scan3A_19 : i32
    %scan3A_21 = arith.constant 1 : i32
    scf.for %scan3A_79 = %scan3A to %scan3A_20 step %scan3A_21  : i32 {
      %mul3A_80 = arith.constant 1 : i32
      %mul3A_81 = arith.muli %scan3A_79, %mul3A_80 : i32
      %add3A_82 = arith.constant 0 : i32
      %add3A_83 = arith.addi %add3A_82, %mul3A_81 : i32
      %swap3A = arith.index_cast %add3A_83 : i32 to index
      %swap3A_84 = arith.constant 0 : index
      %swap3A_85 = tpu.vector_load %arg14[%swap3A, %swap3A_84] {strides = array<i32>} : memref<128x128xf32, #tpu.memory_space<vmem>>, vector<1x16xf32>,
      %swap3A_86 = vector.shape_cast %swap3A_85 : vector<1x16xf32> to vector<16xf32>
      %swap3A_87 = vector.shape_cast %broadcast_in_dim3A_1 : vector<16xf32> to vector<1x16xf32>
      tpu.vector_store %arg14[%swap3A, %swap3A_84], %swap3A_87 {strides = array<i32>} : memref<128x128xf32, #tpu.memory_space<vmem>>, vector<1x16xf32>,
      %swap3A_88 = arith.index_cast %add3A_83 : i32 to index
      %swap3A_89 = arith.constant 16 : index
      %swap3A_90 = tpu.vector_load %arg14[%swap3A_88, %swap3A_89] {strides = array<i32>} : memref<128x128xf32, #tpu.memory_space<vmem>>, vector<1x16xf32>,
      %swap3A_91 = vector.shape_cast %swap3A_90 : vector<1x16xf32> to vector<16xf32>
      %swap3A_92 = vector.shape_cast %broadcast_in_dim3A_1 : vector<16xf32> to vector<1x16xf32>
      tpu.vector_store %arg14[%swap3A_88, %swap3A_89], %swap3A_92 {strides = array<i32>} : memref<128x128xf32, #tpu.memory_space<vmem>>, vector<1x16xf32>,
      %swap3A_93 = arith.index_cast %add3A_83 : i32 to index
      %swap3A_94 = arith.constant 32 : index
      %swap3A_95 = tpu.vector_load %arg14[%swap3A_93, %swap3A_94] {strides = array<i32>} : memref<128x128xf32, #tpu.memory_space<vmem>>, vector<1x16xf32>,
      %swap3A_96 = vector.shape_cast %swap3A_95 : vector<1x16xf32> to vector<16xf32>
      %swap3A_97 = vector.shape_cast %broadcast_in_dim3A_1 : vector<16xf32> to vector<1x16xf32>
      tpu.vector_store %arg14[%swap3A_93, %swap3A_94], %swap3A_97 {strides = array<i32>} : memref<128x128xf32, #tpu.memory_space<vmem>>, vector<1x16xf32>,
      %swap3A_98 = arith.index_cast %add3A_83 : i32 to index
      %swap3A_99 = arith.constant 48 : index
      %swap3A_100 = tpu.vector_load %arg14[%swap3A_98, %swap3A_99] {strides = array<i32>} : memref<128x128xf32, #tpu.memory_space<vmem>>, vector<1x16xf32>,
      %swap3A_101 = vector.shape_cast %swap3A_100 : vector<1x16xf32> to vector<16xf32>
      %swap3A_102 = vector.shape_cast %broadcast_in_dim3A_1 : vector<16xf32> to vector<1x16xf32>
      tpu.vector_store %arg14[%swap3A_98, %swap3A_99], %swap3A_102 {strides = array<i32>} : memref<128x128xf32, #tpu.memory_space<vmem>>, vector<1x16xf32>,
      %swap3A_103 = arith.index_cast %add3A_83 : i32 to index
      %swap3A_104 = arith.constant 64 : index
      %swap3A_105 = tpu.vector_load %arg14[%swap3A_103, %swap3A_104] {strides = array<i32>} : memref<128x128xf32, #tpu.memory_space<vmem>>, vector<1x16xf32>,
      %swap3A_106 = vector.shape_cast %swap3A_105 : vector<1x16xf32> to vector<16xf32>
      %swap3A_107 = vector.shape_cast %broadcast_in_dim3A_1 : vector<16xf32> to vector<1x16xf32>
      tpu.vector_store %arg14[%swap3A_103, %swap3A_104], %swap3A_107 {strides = array<i32>} : memref<128x128xf32, #tpu.memory_space<vmem>>, vector<1x16xf32>,
      %swap3A_108 = arith.index_cast %add3A_83 : i32 to index
      %swap3A_109 = arith.constant 80 : index
      %swap3A_110 = tpu.vector_load %arg14[%swap3A_108, %swap3A_109] {strides = array<i32>} : memref<128x128xf32, #tpu.memory_space<vmem>>, vector<1x16xf32>,
      %swap3A_111 = vector.shape_cast %swap3A_110 : vector<1x16xf32> to vector<16xf32>
      %swap3A_112 = vector.shape_cast %broadcast_in_dim3A_1 : vector<16xf32> to vector<1x16xf32>
      tpu.vector_store %arg14[%swap3A_108, %swap3A_109], %swap3A_112 {strides = array<i32>} : memref<128x128xf32, #tpu.memory_space<vmem>>, vector<1x16xf32>,
      %swap3A_113 = arith.index_cast %add3A_83 : i32 to index
      %swap3A_114 = arith.constant 96 : index
      %swap3A_115 = tpu.vector_load %arg14[%swap3A_113, %swap3A_114] {strides = array<i32>} : memref<128x128xf32, #tpu.memory_space<vmem>>, vector<1x16xf32>,
      %swap3A_116 = vector.shape_cast %swap3A_115 : vector<1x16xf32> to vector<16xf32>
      %swap3A_117 = vector.shape_cast %broadcast_in_dim3A_1 : vector<16xf32> to vector<1x16xf32>
      tpu.vector_store %arg14[%swap3A_113, %swap3A_114], %swap3A_117 {strides = array<i32>} : memref<128x128xf32, #tpu.memory_space<vmem>>, vector<1x16xf32>,
      %swap3A_118 = arith.index_cast %add3A_83 : i32 to index
      %swap3A_119 = arith.constant 112 : index
      %swap3A_120 = tpu.vector_load %arg14[%swap3A_118, %swap3A_119] {strides = array<i32>} : memref<128x128xf32, #tpu.memory_space<vmem>>, vector<1x16xf32>,
      %swap3A_121 = vector.shape_cast %swap3A_120 : vector<1x16xf32> to vector<16xf32>
      %swap3A_122 = vector.shape_cast %broadcast_in_dim3A_1 : vector<16xf32> to vector<1x16xf32>
      tpu.vector_store %arg14[%swap3A_118, %swap3A_119], %swap3A_122 {strides = array<i32>} : memref<128x128xf32, #tpu.memory_space<vmem>>, vector<1x16xf32>,
    }
    %scan3A_22 = arith.constant 128 : i32
    %mul3A_23 = arith.constant 624 : i32
    %mul3A_24 = arith.muli %arg1, %mul3A_23 : i32
    %add3A_25 = arith.constant 0 : i32
    %add3A_26 = arith.addi %mul3A_24, %add3A_25 : i32
    "tpu.region"() ({
      %run_scoped3A = tpu.sem_alloc : memref<!tpu.dma_semaphore, #tpu.memory_space<semaphore_mem>>
      %dma_start3A_79 = arith.constant 0 : i32
      %dma_start3A_80 = arith.constant 0 : i32
      %dma_start3A_81 = tpu.memref_slice %arg14[%dma_start3A_79, %dma_start3A_80] : memref<128x128xf32, #tpu.memory_space<vmem>> -> memref<128x128xf32, #tpu.memory_space<vmem>>
      %dma_start3A_82 = arith.constant 0 : i32
      %dma_start3A_83 = tpu.memref_slice %arg15[%add3A_26, %dma_start3A_82] : memref<10000x128xf32, #tpu.memory_space<vmem_shared>> -> memref<128x128xf32, #tpu.memory_space<vmem_shared>>
      %dma_start3A_84 = arith.constant 0 : i32
      %dma_start3A_85 = tpu.memref_slice %arg15[%add3A_26, %dma_start3A_84] : memref<10000x128xf32, #tpu.memory_space<vmem_shared>> -> memref<128x128xf32, #tpu.memory_space<vmem_shared>>
      %dma_start3A_86 = arith.constant 0 : i32
      %dma_start3A_87 = arith.constant 0 : i32
      %dma_start3A_88 = tpu.memref_slice %arg14[%dma_start3A_86, %dma_start3A_87] : memref<128x128xf32, #tpu.memory_space<vmem>> -> memref<128x128xf32, #tpu.memory_space<vmem>>
      tpu.enqueue_dma source(%dma_start3A_88 : memref<128x128xf32, #tpu.memory_space<vmem>>) target(%dma_start3A_85 : memref<128x128xf32, #tpu.memory_space<vmem_shared>>) target_semaphore(%run_scoped3A : memref<!tpu.dma_semaphore, #tpu.memory_space<semaphore_mem>>)
      %dma_wait3A_89 = arith.constant 0 : i32
      %dma_wait3A_90 = arith.constant 0 : i32
      %dma_wait3A_91 = tpu.memref_slice %arg14[%dma_wait3A_89, %dma_wait3A_90] : memref<128x128xf32, #tpu.memory_space<vmem>> -> memref<128x128xf32, #tpu.memory_space<vmem>>
      %dma_wait3A_92 = arith.constant 0 : i32
      %dma_wait3A_93 = tpu.memref_slice %arg15[%add3A_26, %dma_wait3A_92] : memref<10000x128xf32, #tpu.memory_space<vmem_shared>> -> memref<128x128xf32, #tpu.memory_space<vmem_shared>>
      %dma_wait3A_94 = arith.constant 0 : i32
      %dma_wait3A_95 = tpu.memref_slice %arg15[%add3A_26, %dma_wait3A_94] : memref<10000x128xf32, #tpu.memory_space<vmem_shared>> -> memref<128x128xf32, #tpu.memory_space<vmem_shared>>
      %dma_wait3A_96 = arith.constant 0 : i32
      %dma_wait3A_97 = arith.constant 0 : i32
      %dma_wait3A_98 = tpu.memref_slice %arg14[%dma_wait3A_96, %dma_wait3A_97] : memref<128x128xf32, #tpu.memory_space<vmem>> -> memref<128x128xf32, #tpu.memory_space<vmem>>
      tpu.wait_dma2 semaphore(%run_scoped3A : memref<!tpu.dma_semaphore, #tpu.memory_space<semaphore_mem>>) src(%dma_wait3A_98 : memref<128x128xf32, #tpu.memory_space<vmem>>) dst(%dma_wait3A_95 : memref<128x128xf32, #tpu.memory_space<vmem_shared>>)
      tpu.yield
    }) : () -> ()
    %add3A_27 = arith.constant 128 : i32
    %add3A_28 = arith.addi %mul3A_24, %add3A_27 : i32
    "tpu.region"() ({
      %run_scoped3A = tpu.sem_alloc : memref<!tpu.dma_semaphore, #tpu.memory_space<semaphore_mem>>
      %dma_start3A_79 = arith.constant 0 : i32
      %dma_start3A_80 = arith.constant 0 : i32
      %dma_start3A_81 = tpu.memref_slice %arg14[%dma_start3A_79, %dma_start3A_80] : memref<128x128xf32, #tpu.memory_space<vmem>> -> memref<128x128xf32, #tpu.memory_space<vmem>>
      %dma_start3A_82 = arith.constant 0 : i32
      %dma_start3A_83 = tpu.memref_slice %arg15[%add3A_28, %dma_start3A_82] : memref<10000x128xf32, #tpu.memory_space<vmem_shared>> -> memref<128x128xf32, #tpu.memory_space<vmem_shared>>
      %dma_start3A_84 = arith.constant 0 : i32
      %dma_start3A_85 = tpu.memref_slice %arg15[%add3A_28, %dma_start3A_84] : memref<10000x128xf32, #tpu.memory_space<vmem_shared>> -> memref<128x128xf32, #tpu.memory_space<vmem_shared>>
      %dma_start3A_86 = arith.constant 0 : i32
      %dma_start3A_87 = arith.constant 0 : i32
      %dma_start3A_88 = tpu.memref_slice %arg14[%dma_start3A_86, %dma_start3A_87] : memref<128x128xf32, #tpu.memory_space<vmem>> -> memref<128x128xf32, #tpu.memory_space<vmem>>
      tpu.enqueue_dma source(%dma_start3A_88 : memref<128x128xf32, #tpu.memory_space<vmem>>) target(%dma_start3A_85 : memref<128x128xf32, #tpu.memory_space<vmem_shared>>) target_semaphore(%run_scoped3A : memref<!tpu.dma_semaphore, #tpu.memory_space<semaphore_mem>>)
      %dma_wait3A_89 = arith.constant 0 : i32
      %dma_wait3A_90 = arith.constant 0 : i32
      %dma_wait3A_91 = tpu.memref_slice %arg14[%dma_wait3A_89, %dma_wait3A_90] : memref<128x128xf32, #tpu.memory_space<vmem>> -> memref<128x128xf32, #tpu.memory_space<vmem>>
      %dma_wait3A_92 = arith.constant 0 : i32
      %dma_wait3A_93 = tpu.memref_slice %arg15[%add3A_28, %dma_wait3A_92] : memref<10000x128xf32, #tpu.memory_space<vmem_shared>> -> memref<128x128xf32, #tpu.memory_space<vmem_shared>>
      %dma_wait3A_94 = arith.constant 0 : i32
      %dma_wait3A_95 = tpu.memref_slice %arg15[%add3A_28, %dma_wait3A_94] : memref<10000x128xf32, #tpu.memory_space<vmem_shared>> -> memref<128x128xf32, #tpu.memory_space<vmem_shared>>
      %dma_wait3A_96 = arith.constant 0 : i32
      %dma_wait3A_97 = arith.constant 0 : i32
      %dma_wait3A_98 = tpu.memref_slice %arg14[%dma_wait3A_96, %dma_wait3A_97] : memref<128x128xf32, #tpu.memory_space<vmem>> -> memref<128x128xf32, #tpu.memory_space<vmem>>
      tpu.wait_dma2 semaphore(%run_scoped3A : memref<!tpu.dma_semaphore, #tpu.memory_space<semaphore_mem>>) src(%dma_wait3A_98 : memref<128x128xf32, #tpu.memory_space<vmem>>) dst(%dma_wait3A_95 : memref<128x128xf32, #tpu.memory_space<vmem_shared>>)
      tpu.yield
    }) : () -> ()
    %add3A_29 = arith.constant 256 : i32
    %add3A_30 = arith.addi %mul3A_24, %add3A_29 : i32
    "tpu.region"() ({
      %run_scoped3A = tpu.sem_alloc : memref<!tpu.dma_semaphore, #tpu.memory_space<semaphore_mem>>
      %dma_start3A_79 = arith.constant 0 : i32
      %dma_start3A_80 = arith.constant 0 : i32
      %dma_start3A_81 = tpu.memref_slice %arg14[%dma_start3A_79, %dma_start3A_80] : memref<128x128xf32, #tpu.memory_space<vmem>> -> memref<128x128xf32, #tpu.memory_space<vmem>>
      %dma_start3A_82 = arith.constant 0 : i32
      %dma_start3A_83 = tpu.memref_slice %arg15[%add3A_30, %dma_start3A_82] : memref<10000x128xf32, #tpu.memory_space<vmem_shared>> -> memref<128x128xf32, #tpu.memory_space<vmem_shared>>
      %dma_start3A_84 = arith.constant 0 : i32
      %dma_start3A_85 = tpu.memref_slice %arg15[%add3A_30, %dma_start3A_84] : memref<10000x128xf32, #tpu.memory_space<vmem_shared>> -> memref<128x128xf32, #tpu.memory_space<vmem_shared>>
      %dma_start3A_86 = arith.constant 0 : i32
      %dma_start3A_87 = arith.constant 0 : i32
      %dma_start3A_88 = tpu.memref_slice %arg14[%dma_start3A_86, %dma_start3A_87] : memref<128x128xf32, #tpu.memory_space<vmem>> -> memref<128x128xf32, #tpu.memory_space<vmem>>
      tpu.enqueue_dma source(%dma_start3A_88 : memref<128x128xf32, #tpu.memory_space<vmem>>) target(%dma_start3A_85 : memref<128x128xf32, #tpu.memory_space<vmem_shared>>) target_semaphore(%run_scoped3A : memref<!tpu.dma_semaphore, #tpu.memory_space<semaphore_mem>>)
      %dma_wait3A_89 = arith.constant 0 : i32
      %dma_wait3A_90 = arith.constant 0 : i32
      %dma_wait3A_91 = tpu.memref_slice %arg14[%dma_wait3A_89, %dma_wait3A_90] : memref<128x128xf32, #tpu.memory_space<vmem>> -> memref<128x128xf32, #tpu.memory_space<vmem>>
      %dma_wait3A_92 = arith.constant 0 : i32
      %dma_wait3A_93 = tpu.memref_slice %arg15[%add3A_30, %dma_wait3A_92] : memref<10000x128xf32, #tpu.memory_space<vmem_shared>> -> memref<128x128xf32, #tpu.memory_space<vmem_shared>>
      %dma_wait3A_94 = arith.constant 0 : i32
      %dma_wait3A_95 = tpu.memref_slice %arg15[%add3A_30, %dma_wait3A_94] : memref<10000x128xf32, #tpu.memory_space<vmem_shared>> -> memref<128x128xf32, #tpu.memory_space<vmem_shared>>
      %dma_wait3A_96 = arith.constant 0 : i32
      %dma_wait3A_97 = arith.constant 0 : i32
      %dma_wait3A_98 = tpu.memref_slice %arg14[%dma_wait3A_96, %dma_wait3A_97] : memref<128x128xf32, #tpu.memory_space<vmem>> -> memref<128x128xf32, #tpu.memory_space<vmem>>
      tpu.wait_dma2 semaphore(%run_scoped3A : memref<!tpu.dma_semaphore, #tpu.memory_space<semaphore_mem>>) src(%dma_wait3A_98 : memref<128x128xf32, #tpu.memory_space<vmem>>) dst(%dma_wait3A_95 : memref<128x128xf32, #tpu.memory_space<vmem_shared>>)
      tpu.yield
    }) : () -> ()
    %add3A_31 = arith.constant 384 : i32
    %add3A_32 = arith.addi %mul3A_24, %add3A_31 : i32
    "tpu.region"() ({
      %run_scoped3A = tpu.sem_alloc : memref<!tpu.dma_semaphore, #tpu.memory_space<semaphore_mem>>
      %dma_start3A_79 = arith.constant 0 : i32
      %dma_start3A_80 = arith.constant 0 : i32
      %dma_start3A_81 = tpu.memref_slice %arg14[%dma_start3A_79, %dma_start3A_80] : memref<128x128xf32, #tpu.memory_space<vmem>> -> memref<128x128xf32, #tpu.memory_space<vmem>>
      %dma_start3A_82 = arith.constant 0 : i32
      %dma_start3A_83 = tpu.memref_slice %arg15[%add3A_32, %dma_start3A_82] : memref<10000x128xf32, #tpu.memory_space<vmem_shared>> -> memref<128x128xf32, #tpu.memory_space<vmem_shared>>
      %dma_start3A_84 = arith.constant 0 : i32
      %dma_start3A_85 = tpu.memref_slice %arg15[%add3A_32, %dma_start3A_84] : memref<10000x128xf32, #tpu.memory_space<vmem_shared>> -> memref<128x128xf32, #tpu.memory_space<vmem_shared>>
      %dma_start3A_86 = arith.constant 0 : i32
      %dma_start3A_87 = arith.constant 0 : i32
      %dma_start3A_88 = tpu.memref_slice %arg14[%dma_start3A_86, %dma_start3A_87] : memref<128x128xf32, #tpu.memory_space<vmem>> -> memref<128x128xf32, #tpu.memory_space<vmem>>
      tpu.enqueue_dma source(%dma_start3A_88 : memref<128x128xf32, #tpu.memory_space<vmem>>) target(%dma_start3A_85 : memref<128x128xf32, #tpu.memory_space<vmem_shared>>) target_semaphore(%run_scoped3A : memref<!tpu.dma_semaphore, #tpu.memory_space<semaphore_mem>>)
      %dma_wait3A_89 = arith.constant 0 : i32
      %dma_wait3A_90 = arith.constant 0 : i32
      %dma_wait3A_91 = tpu.memref_slice %arg14[%dma_wait3A_89, %dma_wait3A_90] : memref<128x128xf32, #tpu.memory_space<vmem>> -> memref<128x128xf32, #tpu.memory_space<vmem>>
      %dma_wait3A_92 = arith.constant 0 : i32
      %dma_wait3A_93 = tpu.memref_slice %arg15[%add3A_32, %dma_wait3A_92] : memref<10000x128xf32, #tpu.memory_space<vmem_shared>> -> memref<128x128xf32, #tpu.memory_space<vmem_shared>>
      %dma_wait3A_94 = arith.constant 0 : i32
      %dma_wait3A_95 = tpu.memref_slice %arg15[%add3A_32, %dma_wait3A_94] : memref<10000x128xf32, #tpu.memory_space<vmem_shared>> -> memref<128x128xf32, #tpu.memory_space<vmem_shared>>
      %dma_wait3A_96 = arith.constant 0 : i32
      %dma_wait3A_97 = arith.constant 0 : i32
      %dma_wait3A_98 = tpu.memref_slice %arg14[%dma_wait3A_96, %dma_wait3A_97] : memref<128x128xf32, #tpu.memory_space<vmem>> -> memref<128x128xf32, #tpu.memory_space<vmem>>
      tpu.wait_dma2 semaphore(%run_scoped3A : memref<!tpu.dma_semaphore, #tpu.memory_space<semaphore_mem>>) src(%dma_wait3A_98 : memref<128x128xf32, #tpu.memory_space<vmem>>) dst(%dma_wait3A_95 : memref<128x128xf32, #tpu.memory_space<vmem_shared>>)
      tpu.yield
    }) : () -> ()
    %add3A_33 = arith.constant 512 : i32
    %add3A_34 = arith.addi %mul3A_24, %add3A_33 : i32
    "tpu.region"() ({
      %run_scoped3A = tpu.sem_alloc : memref<!tpu.dma_semaphore, #tpu.memory_space<semaphore_mem>>
      %dma_start3A_79 = arith.constant 0 : i32
      %dma_start3A_80 = arith.constant 0 : i32
      %dma_start3A_81 = tpu.memref_slice %arg14[%dma_start3A_79, %dma_start3A_80] : memref<128x128xf32, #tpu.memory_space<vmem>> -> memref<112x128xf32, #tpu.memory_space<vmem>>
      %dma_start3A_82 = arith.constant 0 : i32
      %dma_start3A_83 = tpu.memref_slice %arg15[%add3A_34, %dma_start3A_82] : memref<10000x128xf32, #tpu.memory_space<vmem_shared>> -> memref<112x128xf32, #tpu.memory_space<vmem_shared>>
      %dma_start3A_84 = arith.constant 0 : i32
      %dma_start3A_85 = tpu.memref_slice %arg15[%add3A_34, %dma_start3A_84] : memref<10000x128xf32, #tpu.memory_space<vmem_shared>> -> memref<112x128xf32, #tpu.memory_space<vmem_shared>>
      %dma_start3A_86 = arith.constant 0 : i32
      %dma_start3A_87 = arith.constant 0 : i32
      %dma_start3A_88 = tpu.memref_slice %arg14[%dma_start3A_86, %dma_start3A_87] : memref<128x128xf32, #tpu.memory_space<vmem>> -> memref<112x128xf32, #tpu.memory_space<vmem>>
      tpu.enqueue_dma source(%dma_start3A_88 : memref<112x128xf32, #tpu.memory_space<vmem>>) target(%dma_start3A_85 : memref<112x128xf32, #tpu.memory_space<vmem_shared>>) target_semaphore(%run_scoped3A : memref<!tpu.dma_semaphore, #tpu.memory_space<semaphore_mem>>)
      %dma_wait3A_89 = arith.constant 0 : i32
      %dma_wait3A_90 = arith.constant 0 : i32
      %dma_wait3A_91 = tpu.memref_slice %arg14[%dma_wait3A_89, %dma_wait3A_90] : memref<128x128xf32, #tpu.memory_space<vmem>> -> memref<112x128xf32, #tpu.memory_space<vmem>>
      %dma_wait3A_92 = arith.constant 0 : i32
      %dma_wait3A_93 = tpu.memref_slice %arg15[%add3A_34, %dma_wait3A_92] : memref<10000x128xf32, #tpu.memory_space<vmem_shared>> -> memref<112x128xf32, #tpu.memory_space<vmem_shared>>
      %dma_wait3A_94 = arith.constant 0 : i32
      %dma_wait3A_95 = tpu.memref_slice %arg15[%add3A_34, %dma_wait3A_94] : memref<10000x128xf32, #tpu.memory_space<vmem_shared>> -> memref<112x128xf32, #tpu.memory_space<vmem_shared>>
      %dma_wait3A_96 = arith.constant 0 : i32
      %dma_wait3A_97 = arith.constant 0 : i32
      %dma_wait3A_98 = tpu.memref_slice %arg14[%dma_wait3A_96, %dma_wait3A_97] : memref<128x128xf32, #tpu.memory_space<vmem>> -> memref<112x128xf32, #tpu.memory_space<vmem>>
      tpu.wait_dma2 semaphore(%run_scoped3A : memref<!tpu.dma_semaphore, #tpu.memory_space<semaphore_mem>>) src(%dma_wait3A_98 : memref<112x128xf32, #tpu.memory_space<vmem>>) dst(%dma_wait3A_95 : memref<112x128xf32, #tpu.memory_space<vmem_shared>>)
      tpu.yield
    }) : () -> ()
    %eq3A = arith.constant 15 : i32
    %eq3A_35 = arith.cmpi eq, %arg1, %eq3A : i32
    %convert_element_type3A = arith.extui %eq3A_35 : i1 to i32
    %cond3A = arith.constant 0 : i32
    %cond3A_36 = arith.cmpi ne, %convert_element_type3A, %cond3A : i32
    scf.if %cond3A_36 {
      "tpu.region"() ({
        %run_scoped3A = tpu.sem_alloc : memref<!tpu.dma_semaphore, #tpu.memory_space<semaphore_mem>>
        %dma_start3A_79 = arith.constant 0 : i32
        %dma_start3A_80 = arith.constant 0 : i32
        %dma_start3A_81 = tpu.memref_slice %arg14[%dma_start3A_79, %dma_start3A_80] : memref<128x128xf32, #tpu.memory_space<vmem>> -> memref<16x128xf32, #tpu.memory_space<vmem>>
        %dma_start3A_82 = arith.constant 9984 : i32
        %dma_start3A_83 = arith.constant 0 : i32
        %dma_start3A_84 = tpu.memref_slice %arg15[%dma_start3A_82, %dma_start3A_83] : memref<10000x128xf32, #tpu.memory_space<vmem_shared>> -> memref<16x128xf32, #tpu.memory_space<vmem_shared>>
        %dma_start3A_85 = arith.constant 9984 : i32
        %dma_start3A_86 = arith.constant 0 : i32
        %dma_start3A_87 = tpu.memref_slice %arg15[%dma_start3A_85, %dma_start3A_86] : memref<10000x128xf32, #tpu.memory_space<vmem_shared>> -> memref<16x128xf32, #tpu.memory_space<vmem_shared>>
        %dma_start3A_88 = arith.constant 0 : i32
        %dma_start3A_89 = arith.constant 0 : i32
        %dma_start3A_90 = tpu.memref_slice %arg14[%dma_start3A_88, %dma_start3A_89] : memref<128x128xf32, #tpu.memory_space<vmem>> -> memref<16x128xf32, #tpu.memory_space<vmem>>
        tpu.enqueue_dma source(%dma_start3A_90 : memref<16x128xf32, #tpu.memory_space<vmem>>) target(%dma_start3A_87 : memref<16x128xf32, #tpu.memory_space<vmem_shared>>) target_semaphore(%run_scoped3A : memref<!tpu.dma_semaphore, #tpu.memory_space<semaphore_mem>>)
        %dma_wait3A_91 = arith.constant 0 : i32
        %dma_wait3A_92 = arith.constant 0 : i32
        %dma_wait3A_93 = tpu.memref_slice %arg14[%dma_wait3A_91, %dma_wait3A_92] : memref<128x128xf32, #tpu.memory_space<vmem>> -> memref<16x128xf32, #tpu.memory_space<vmem>>
        %dma_wait3A_94 = arith.constant 9984 : i32
        %dma_wait3A_95 = arith.constant 0 : i32
        %dma_wait3A_96 = tpu.memref_slice %arg15[%dma_wait3A_94, %dma_wait3A_95] : memref<10000x128xf32, #tpu.memory_space<vmem_shared>> -> memref<16x128xf32, #tpu.memory_space<vmem_shared>>
        %dma_wait3A_97 = arith.constant 9984 : i32
        %dma_wait3A_98 = arith.constant 0 : i32
        %dma_wait3A_99 = tpu.memref_slice %arg15[%dma_wait3A_97, %dma_wait3A_98] : memref<10000x128xf32, #tpu.memory_space<vmem_shared>> -> memref<16x128xf32, #tpu.memory_space<vmem_shared>>
        %dma_wait3A_100 = arith.constant 0 : i32
        %dma_wait3A_101 = arith.constant 0 : i32
        %dma_wait3A_102 = tpu.memref_slice %arg14[%dma_wait3A_100, %dma_wait3A_101] : memref<128x128xf32, #tpu.memory_space<vmem>> -> memref<16x128xf32, #tpu.memory_space<vmem>>
        tpu.wait_dma2 semaphore(%run_scoped3A : memref<!tpu.dma_semaphore, #tpu.memory_space<semaphore_mem>>) src(%dma_wait3A_102 : memref<16x128xf32, #tpu.memory_space<vmem>>) dst(%dma_wait3A_99 : memref<16x128xf32, #tpu.memory_space<vmem_shared>>)
        tpu.yield
      }) : () -> ()
    } else {
    }
    %barrier3A = arith.constant 0 : index
    tpu.barrier barrier_id(%barrier3A)
    %scan3A_37 = arith.constant 0 : i32
    %scan3A_38 = arith.constant 40 : i32
    %scan3A_39 = arith.addi %scan3A_37, %scan3A_38 : i32
    %scan3A_40 = arith.constant 1 : i32
    scf.for %scan3A_79 = %scan3A_37 to %scan3A_39 step %scan3A_40  : i32 {
      %mul3A_80 = arith.constant 1 : i32
      %mul3A_81 = arith.muli %scan3A_79, %mul3A_80 : i32
      %add3A_82 = arith.constant 0 : i32
      %add3A_83 = arith.addi %add3A_82, %mul3A_81 : i32
      %mul3A_84 = arith.constant 2 : i32
      %mul3A_85 = arith.muli %mul3A_84, %add3A_83 : i32
      %add3A_86 = arith.constant 0 : i32
      %add3A_87 = arith.addi %mul3A_85, %add3A_86 : i32
      %add3A_88 = arith.constant 1 : i32
      %add3A_89 = arith.addi %add3A_87, %add3A_88 : i32
      %lt3A = arith.constant 80 : i32
      %lt3A_90 = arith.cmpi slt, %add3A_89, %lt3A : i32
      %convert_element_type3A_91 = arith.extui %lt3A_90 : i1 to i32
      %cond3A_92 = arith.constant 0 : i32
      %cond3A_93 = arith.cmpi ne, %convert_element_type3A_91, %cond3A_92 : i32
      scf.if %cond3A_93 {
        %ge3A = arith.constant 1 : i32
        %ge3A_129 = arith.cmpi sge, %add3A_87, %ge3A : i32
        %convert_element_type3A_130 = arith.extui %ge3A_129 : i1 to i32
        %cond3A_131 = arith.constant 0 : i32
        %cond3A_132 = arith.cmpi ne, %convert_element_type3A_130, %cond3A_131 : i32
        scf.if %cond3A_132 {
          %dma_wait3A_150 = arith.constant 0 : i32
          %dma_wait3A_151 = arith.constant 0 : i32
          %dma_wait3A_152 = tpu.memref_slice %arg14[%dma_wait3A_150, %dma_wait3A_151] : memref<128x128xf32, #tpu.memory_space<vmem>> -> memref<128x128xf32, #tpu.memory_space<vmem>>
          %dma_wait3A_153 = arith.constant 0 : i32
          %dma_wait3A_154 = arith.constant 0 : i32
          %dma_wait3A_155 = tpu.memref_slice %arg15[%dma_wait3A_153, %dma_wait3A_154] : memref<10000x128xf32, #tpu.memory_space<vmem_shared>> -> memref<10000x128xf32, #tpu.memory_space<vmem_shared>>
          tpu.wait_indirect_dma semaphore(%arg19 : memref<!tpu.dma_semaphore, #tpu.memory_space<semaphore_mem>>) src(%dma_wait3A_152 : memref<128x128xf32, #tpu.memory_space<vmem>>) dst(%dma_wait3A_155 : memref<10000x128xf32, #tpu.memory_space<vmem_shared>>)
        } else {
        }
        %add3A_133 = arith.constant 1 : i32
        %add3A_134 = arith.addi %add3A_87, %add3A_133 : i32
        %mul3A_135 = arith.constant 128 : i32
        %mul3A_136 = arith.muli %add3A_134, %mul3A_135 : i32
        %add3A_137 = arith.addi %mul3A_5, %mul3A_136 : i32
        %add3A_138 = arith.constant 0 : i32
        %add3A_139 = arith.addi %add3A_137, %add3A_138 : i32
        "tpu.region"() ({
          %run_scoped3A = tpu.sem_alloc : memref<!tpu.dma_semaphore, #tpu.memory_space<semaphore_mem>>
          %dma_start3A_150 = tpu.memref_slice %arg3[%add3A_139] : memref<327680xi32, #tpu.memory_space<hbm>> -> memref<128xi32, #tpu.memory_space<hbm>>
          %dma_start3A_151 = tpu.memref_slice %arg3[%add3A_139] : memref<327680xi32, #tpu.memory_space<hbm>> -> memref<128xi32, #tpu.memory_space<hbm>>
          tpu.enqueue_dma source(%dma_start3A_151 : memref<128xi32, #tpu.memory_space<hbm>>) target(%arg8 : memref<128xi32, #tpu.memory_space<vmem>>) target_semaphore(%run_scoped3A : memref<!tpu.dma_semaphore, #tpu.memory_space<semaphore_mem>>)
          %dma_wait3A_152 = tpu.memref_slice %arg3[%add3A_139] : memref<327680xi32, #tpu.memory_space<hbm>> -> memref<128xi32, #tpu.memory_space<hbm>>
          %dma_wait3A_153 = tpu.memref_slice %arg3[%add3A_139] : memref<327680xi32, #tpu.memory_space<hbm>> -> memref<128xi32, #tpu.memory_space<hbm>>
          tpu.wait_dma2 semaphore(%run_scoped3A : memref<!tpu.dma_semaphore, #tpu.memory_space<semaphore_mem>>) src(%dma_wait3A_153 : memref<128xi32, #tpu.memory_space<hbm>>) dst(%arg8 : memref<128xi32, #tpu.memory_space<vmem>>)
          tpu.yield
        }) : () -> ()
        %add3A_140 = arith.constant 0 : i32
        %add3A_141 = arith.addi %add3A_137, %add3A_140 : i32
        "tpu.region"() ({
          %run_scoped3A = tpu.sem_alloc : memref<!tpu.dma_semaphore, #tpu.memory_space<semaphore_mem>>
          %dma_start3A_150 = tpu.memref_slice %arg4[%add3A_141] : memref<327680xi32, #tpu.memory_space<hbm>> -> memref<128xi32, #tpu.memory_space<hbm>>
          %dma_start3A_151 = tpu.memref_slice %arg4[%add3A_141] : memref<327680xi32, #tpu.memory_space<hbm>> -> memref<128xi32, #tpu.memory_space<hbm>>
          tpu.enqueue_dma source(%dma_start3A_151 : memref<128xi32, #tpu.memory_space<hbm>>) target(%arg10 : memref<128xi32, #tpu.memory_space<vmem>>) target_semaphore(%run_scoped3A : memref<!tpu.dma_semaphore, #tpu.memory_space<semaphore_mem>>)
          %dma_wait3A_152 = tpu.memref_slice %arg4[%add3A_141] : memref<327680xi32, #tpu.memory_space<hbm>> -> memref<128xi32, #tpu.memory_space<hbm>>
          %dma_wait3A_153 = tpu.memref_slice %arg4[%add3A_141] : memref<327680xi32, #tpu.memory_space<hbm>> -> memref<128xi32, #tpu.memory_space<hbm>>
          tpu.wait_dma2 semaphore(%run_scoped3A : memref<!tpu.dma_semaphore, #tpu.memory_space<semaphore_mem>>) src(%dma_wait3A_153 : memref<128xi32, #tpu.memory_space<hbm>>) dst(%arg10 : memref<128xi32, #tpu.memory_space<vmem>>)
          tpu.yield
        }) : () -> ()
        %mul3A_142 = arith.constant 16 : i32
        %mul3A_143 = arith.muli %add3A_137, %mul3A_142 : i32
        "tpu.region"() ({
          %run_scoped3A = tpu.sem_alloc : memref<!tpu.dma_semaphore, #tpu.memory_space<semaphore_mem>>
          %dma_start3A_150 = tpu.memref_slice %arg5[%mul3A_143] : memref<5242880xf32, #tpu.memory_space<hbm>> -> memref<2048xf32, #tpu.memory_space<hbm>>
          %dma_start3A_151 = tpu.memref_slice %arg5[%mul3A_143] : memref<5242880xf32, #tpu.memory_space<hbm>> -> memref<2048xf32, #tpu.memory_space<hbm>>
          tpu.enqueue_dma source(%dma_start3A_151 : memref<2048xf32, #tpu.memory_space<hbm>>) target(%arg12 : memref<2048xf32, #tpu.memory_space<vmem>>) target_semaphore(%run_scoped3A : memref<!tpu.dma_semaphore, #tpu.memory_space<semaphore_mem>>)
          %dma_wait3A_152 = tpu.memref_slice %arg5[%mul3A_143] : memref<5242880xf32, #tpu.memory_space<hbm>> -> memref<2048xf32, #tpu.memory_space<hbm>>
          %dma_wait3A_153 = tpu.memref_slice %arg5[%mul3A_143] : memref<5242880xf32, #tpu.memory_space<hbm>> -> memref<2048xf32, #tpu.memory_space<hbm>>
          tpu.wait_dma2 semaphore(%run_scoped3A : memref<!tpu.dma_semaphore, #tpu.memory_space<semaphore_mem>>) src(%dma_wait3A_153 : memref<2048xf32, #tpu.memory_space<hbm>>) dst(%arg12 : memref<2048xf32, #tpu.memory_space<vmem>>)
          tpu.yield
        }) : () -> ()
        %dma_start3A_144 = arith.constant 0 : i32
        %dma_start3A_145 = arith.constant 0 : i32
        %dma_start3A_146 = tpu.memref_slice %arg14[%dma_start3A_144, %dma_start3A_145] : memref<128x128xf32, #tpu.memory_space<vmem>> -> memref<128x128xf32, #tpu.memory_space<vmem>>
        %dma_start3A_147 = arith.constant 0 : i32
        %dma_start3A_148 = arith.constant 0 : i32
        %dma_start3A_149 = tpu.memref_slice %arg2[%dma_start3A_147, %dma_start3A_148] : memref<10000x128xf32, #tpu.memory_space<hbm>> -> memref<10000x128xf32, #tpu.memory_space<hbm>>
        tpu.enqueue_indirect_dma source(%dma_start3A_149 : memref<10000x128xf32, #tpu.memory_space<hbm>>) target(%dma_start3A_146 : memref<128x128xf32, #tpu.memory_space<vmem>>) offsets(%arg8 : memref<128xi32, #tpu.memory_space<vmem>>) semaphore(%arg17 : memref<!tpu.dma_semaphore, #tpu.memory_space<semaphore_mem>>)
      } else {
      }
      %dma_wait3A_94 = arith.constant 0 : i32
      %dma_wait3A_95 = arith.constant 0 : i32
      %dma_wait3A_96 = tpu.memref_slice %arg13[%dma_wait3A_94, %dma_wait3A_95] : memref<128x128xf32, #tpu.memory_space<vmem>> -> memref<128x128xf32, #tpu.memory_space<vmem>>
      %dma_wait3A_97 = arith.constant 0 : i32
      %dma_wait3A_98 = arith.constant 0 : i32
      %dma_wait3A_99 = tpu.memref_slice %arg2[%dma_wait3A_97, %dma_wait3A_98] : memref<10000x128xf32, #tpu.memory_space<hbm>> -> memref<10000x128xf32, #tpu.memory_space<hbm>>
      tpu.wait_indirect_dma semaphore(%arg16 : memref<!tpu.dma_semaphore, #tpu.memory_space<semaphore_mem>>) src(%dma_wait3A_99 : memref<10000x128xf32, #tpu.memory_space<hbm>>) dst(%dma_wait3A_96 : memref<128x128xf32, #tpu.memory_space<vmem>>)
      %dma_start3A_100 = arith.constant 0 : i32
      %dma_start3A_101 = arith.constant 0 : i32
      %dma_start3A_102 = tpu.memref_slice %arg13[%dma_start3A_100, %dma_start3A_101] : memref<128x128xf32, #tpu.memory_space<vmem>> -> memref<128x128xf32, #tpu.memory_space<vmem>>
      %dma_start3A_103 = arith.constant 0 : i32
      %dma_start3A_104 = arith.constant 0 : i32
      %dma_start3A_105 = tpu.memref_slice %arg15[%dma_start3A_103, %dma_start3A_104] : memref<10000x128xf32, #tpu.memory_space<vmem_shared>> -> memref<10000x128xf32, #tpu.memory_space<vmem_shared>>
      tpu.enqueue_indirect_dma source(%dma_start3A_102 : memref<128x128xf32, #tpu.memory_space<vmem>>) target(%dma_start3A_105 : memref<10000x128xf32, #tpu.memory_space<vmem_shared>>) offsets(%arg9 : memref<128xi32, #tpu.memory_space<vmem>>) semaphore(%arg18 : memref<!tpu.dma_semaphore, #tpu.memory_space<semaphore_mem>>) {add = true}
      %mul3A_106 = arith.constant 2 : i32
      %mul3A_107 = arith.muli %mul3A_106, %add3A_83 : i32
      %add3A_108 = arith.constant 1 : i32
      %add3A_109 = arith.addi %mul3A_107, %add3A_108 : i32
      %add3A_110 = arith.constant 1 : i32
      %add3A_111 = arith.addi %add3A_109, %add3A_110 : i32
      %lt3A_112 = arith.constant 80 : i32
      %lt3A_113 = arith.cmpi slt, %add3A_111, %lt3A_112 : i32
      %convert_element_type3A_114 = arith.extui %lt3A_113 : i1 to i32
      %cond3A_115 = arith.constant 0 : i32
      %cond3A_116 = arith.cmpi ne, %convert_element_type3A_114, %cond3A_115 : i32
      scf.if %cond3A_116 {
        %ge3A = arith.constant 1 : i32
        %ge3A_129 = arith.cmpi sge, %add3A_109, %ge3A : i32
        %convert_element_type3A_130 = arith.extui %ge3A_129 : i1 to i32
        %cond3A_131 = arith.constant 0 : i32
        %cond3A_132 = arith.cmpi ne, %convert_element_type3A_130, %cond3A_131 : i32
        scf.if %cond3A_132 {
          %dma_wait3A_150 = arith.constant 0 : i32
          %dma_wait3A_151 = arith.constant 0 : i32
          %dma_wait3A_152 = tpu.memref_slice %arg13[%dma_wait3A_150, %dma_wait3A_151] : memref<128x128xf32, #tpu.memory_space<vmem>> -> memref<128x128xf32, #tpu.memory_space<vmem>>
          %dma_wait3A_153 = arith.constant 0 : i32
          %dma_wait3A_154 = arith.constant 0 : i32
          %dma_wait3A_155 = tpu.memref_slice %arg15[%dma_wait3A_153, %dma_wait3A_154] : memref<10000x128xf32, #tpu.memory_space<vmem_shared>> -> memref<10000x128xf32, #tpu.memory_space<vmem_shared>>
          tpu.wait_indirect_dma semaphore(%arg18 : memref<!tpu.dma_semaphore, #tpu.memory_space<semaphore_mem>>) src(%dma_wait3A_152 : memref<128x128xf32, #tpu.memory_space<vmem>>) dst(%dma_wait3A_155 : memref<10000x128xf32, #tpu.memory_space<vmem_shared>>)
        } else {
        }
        %add3A_133 = arith.constant 1 : i32
        %add3A_134 = arith.addi %add3A_109, %add3A_133 : i32
        %mul3A_135 = arith.constant 128 : i32
        %mul3A_136 = arith.muli %add3A_134, %mul3A_135 : i32
        %add3A_137 = arith.addi %mul3A_5, %mul3A_136 : i32
        %add3A_138 = arith.constant 0 : i32
        %add3A_139 = arith.addi %add3A_137, %add3A_138 : i32
        "tpu.region"() ({
          %run_scoped3A = tpu.sem_alloc : memref<!tpu.dma_semaphore, #tpu.memory_space<semaphore_mem>>
          %dma_start3A_150 = tpu.memref_slice %arg3[%add3A_139] : memref<327680xi32, #tpu.memory_space<hbm>> -> memref<128xi32, #tpu.memory_space<hbm>>
          %dma_start3A_151 = tpu.memref_slice %arg3[%add3A_139] : memref<327680xi32, #tpu.memory_space<hbm>> -> memref<128xi32, #tpu.memory_space<hbm>>
          tpu.enqueue_dma source(%dma_start3A_151 : memref<128xi32, #tpu.memory_space<hbm>>) target(%arg7 : memref<128xi32, #tpu.memory_space<vmem>>) target_semaphore(%run_scoped3A : memref<!tpu.dma_semaphore, #tpu.memory_space<semaphore_mem>>)
          %dma_wait3A_152 = tpu.memref_slice %arg3[%add3A_139] : memref<327680xi32, #tpu.memory_space<hbm>> -> memref<128xi32, #tpu.memory_space<hbm>>
          %dma_wait3A_153 = tpu.memref_slice %arg3[%add3A_139] : memref<327680xi32, #tpu.memory_space<hbm>> -> memref<128xi32, #tpu.memory_space<hbm>>
          tpu.wait_dma2 semaphore(%run_scoped3A : memref<!tpu.dma_semaphore, #tpu.memory_space<semaphore_mem>>) src(%dma_wait3A_153 : memref<128xi32, #tpu.memory_space<hbm>>) dst(%arg7 : memref<128xi32, #tpu.memory_space<vmem>>)
          tpu.yield
        }) : () -> ()
        %add3A_140 = arith.constant 0 : i32
        %add3A_141 = arith.addi %add3A_137, %add3A_140 : i32
        "tpu.region"() ({
          %run_scoped3A = tpu.sem_alloc : memref<!tpu.dma_semaphore, #tpu.memory_space<semaphore_mem>>
          %dma_start3A_150 = tpu.memref_slice %arg4[%add3A_141] : memref<327680xi32, #tpu.memory_space<hbm>> -> memref<128xi32, #tpu.memory_space<hbm>>
          %dma_start3A_151 = tpu.memref_slice %arg4[%add3A_141] : memref<327680xi32, #tpu.memory_space<hbm>> -> memref<128xi32, #tpu.memory_space<hbm>>
          tpu.enqueue_dma source(%dma_start3A_151 : memref<128xi32, #tpu.memory_space<hbm>>) target(%arg9 : memref<128xi32, #tpu.memory_space<vmem>>) target_semaphore(%run_scoped3A : memref<!tpu.dma_semaphore, #tpu.memory_space<semaphore_mem>>)
          %dma_wait3A_152 = tpu.memref_slice %arg4[%add3A_141] : memref<327680xi32, #tpu.memory_space<hbm>> -> memref<128xi32, #tpu.memory_space<hbm>>
          %dma_wait3A_153 = tpu.memref_slice %arg4[%add3A_141] : memref<327680xi32, #tpu.memory_space<hbm>> -> memref<128xi32, #tpu.memory_space<hbm>>
          tpu.wait_dma2 semaphore(%run_scoped3A : memref<!tpu.dma_semaphore, #tpu.memory_space<semaphore_mem>>) src(%dma_wait3A_153 : memref<128xi32, #tpu.memory_space<hbm>>) dst(%arg9 : memref<128xi32, #tpu.memory_space<vmem>>)
          tpu.yield
        }) : () -> ()
        %mul3A_142 = arith.constant 16 : i32
        %mul3A_143 = arith.muli %add3A_137, %mul3A_142 : i32
        "tpu.region"() ({
          %run_scoped3A = tpu.sem_alloc : memref<!tpu.dma_semaphore, #tpu.memory_space<semaphore_mem>>
          %dma_start3A_150 = tpu.memref_slice %arg5[%mul3A_143] : memref<5242880xf32, #tpu.memory_space<hbm>> -> memref<2048xf32, #tpu.memory_space<hbm>>
          %dma_start3A_151 = tpu.memref_slice %arg5[%mul3A_143] : memref<5242880xf32, #tpu.memory_space<hbm>> -> memref<2048xf32, #tpu.memory_space<hbm>>
          tpu.enqueue_dma source(%dma_start3A_151 : memref<2048xf32, #tpu.memory_space<hbm>>) target(%arg11 : memref<2048xf32, #tpu.memory_space<vmem>>) target_semaphore(%run_scoped3A : memref<!tpu.dma_semaphore, #tpu.memory_space<semaphore_mem>>)
          %dma_wait3A_152 = tpu.memref_slice %arg5[%mul3A_143] : memref<5242880xf32, #tpu.memory_space<hbm>> -> memref<2048xf32, #tpu.memory_space<hbm>>
          %dma_wait3A_153 = tpu.memref_slice %arg5[%mul3A_143] : memref<5242880xf32, #tpu.memory_space<hbm>> -> memref<2048xf32, #tpu.memory_space<hbm>>
          tpu.wait_dma2 semaphore(%run_scoped3A : memref<!tpu.dma_semaphore, #tpu.memory_space<semaphore_mem>>) src(%dma_wait3A_153 : memref<2048xf32, #tpu.memory_space<hbm>>) dst(%arg11 : memref<2048xf32, #tpu.memory_space<vmem>>)
          tpu.yield
        }) : () -> ()
        %dma_start3A_144 = arith.constant 0 : i32
        %dma_start3A_145 = arith.constant 0 : i32
        %dma_start3A_146 = tpu.memref_slice %arg13[%dma_start3A_144, %dma_start3A_145] : memref<128x128xf32, #tpu.memory_space<vmem>> -> memref<128x128xf32, #tpu.memory_space<vmem>>
        %dma_start3A_147 = arith.constant 0 : i32
        %dma_start3A_148 = arith.constant 0 : i32
        %dma_start3A_149 = tpu.memref_slice %arg2[%dma_start3A_147, %dma_start3A_148] : memref<10000x128xf32, #tpu.memory_space<hbm>> -> memref<10000x128xf32, #tpu.memory_space<hbm>>
        tpu.enqueue_indirect_dma source(%dma_start3A_149 : memref<10000x128xf32, #tpu.memory_space<hbm>>) target(%dma_start3A_146 : memref<128x128xf32, #tpu.memory_space<vmem>>) offsets(%arg7 : memref<128xi32, #tpu.memory_space<vmem>>) semaphore(%arg16 : memref<!tpu.dma_semaphore, #tpu.memory_space<semaphore_mem>>)
      } else {
      }
      %dma_wait3A_117 = arith.constant 0 : i32
      %dma_wait3A_118 = arith.constant 0 : i32
      %dma_wait3A_119 = tpu.memref_slice %arg14[%dma_wait3A_117, %dma_wait3A_118] : memref<128x128xf32, #tpu.memory_space<vmem>> -> memref<128x128xf32, #tpu.memory_space<vmem>>
      %dma_wait3A_120 = arith.constant 0 : i32
      %dma_wait3A_121 = arith.constant 0 : i32
      %dma_wait3A_122 = tpu.memref_slice %arg2[%dma_wait3A_120, %dma_wait3A_121] : memref<10000x128xf32, #tpu.memory_space<hbm>> -> memref<10000x128xf32, #tpu.memory_space<hbm>>
      tpu.wait_indirect_dma semaphore(%arg17 : memref<!tpu.dma_semaphore, #tpu.memory_space<semaphore_mem>>) src(%dma_wait3A_122 : memref<10000x128xf32, #tpu.memory_space<hbm>>) dst(%dma_wait3A_119 : memref<128x128xf32, #tpu.memory_space<vmem>>)
      %dma_start3A_123 = arith.constant 0 : i32
      %dma_start3A_124 = arith.constant 0 : i32
      %dma_start3A_125 = tpu.memref_slice %arg14[%dma_start3A_123, %dma_start3A_124] : memref<128x128xf32, #tpu.memory_space<vmem>> -> memref<128x128xf32, #tpu.memory_space<vmem>>
      %dma_start3A_126 = arith.constant 0 : i32
      %dma_start3A_127 = arith.constant 0 : i32
      %dma_start3A_128 = tpu.memref_slice %arg15[%dma_start3A_126, %dma_start3A_127] : memref<10000x128xf32, #tpu.memory_space<vmem_shared>> -> memref<10000x128xf32, #tpu.memory_space<vmem_shared>>
      tpu.enqueue_indirect_dma source(%dma_start3A_125 : memref<128x128xf32, #tpu.memory_space<vmem>>) target(%dma_start3A_128 : memref<10000x128xf32, #tpu.memory_space<vmem_shared>>) offsets(%arg10 : memref<128xi32, #tpu.memory_space<vmem>>) semaphore(%arg19 : memref<!tpu.dma_semaphore, #tpu.memory_space<semaphore_mem>>) {add = true}
    }
    %scan3A_41 = arith.constant 40 : i32
    %dma_wait3A = arith.constant 0 : i32
    %dma_wait3A_42 = arith.constant 0 : i32
    %dma_wait3A_43 = tpu.memref_slice %arg13[%dma_wait3A, %dma_wait3A_42] : memref<128x128xf32, #tpu.memory_space<vmem>> -> memref<128x128xf32, #tpu.memory_space<vmem>>
    %dma_wait3A_44 = arith.constant 0 : i32
    %dma_wait3A_45 = arith.constant 0 : i32
    %dma_wait3A_46 = tpu.memref_slice %arg15[%dma_wait3A_44, %dma_wait3A_45] : memref<10000x128xf32, #tpu.memory_space<vmem_shared>> -> memref<10000x128xf32, #tpu.memory_space<vmem_shared>>
    tpu.wait_indirect_dma semaphore(%arg18 : memref<!tpu.dma_semaphore, #tpu.memory_space<semaphore_mem>>) src(%dma_wait3A_43 : memref<128x128xf32, #tpu.memory_space<vmem>>) dst(%dma_wait3A_46 : memref<10000x128xf32, #tpu.memory_space<vmem_shared>>)
    %dma_wait3A_47 = arith.constant 0 : i32
    %dma_wait3A_48 = arith.constant 0 : i32
    %dma_wait3A_49 = tpu.memref_slice %arg14[%dma_wait3A_47, %dma_wait3A_48] : memref<128x128xf32, #tpu.memory_space<vmem>> -> memref<128x128xf32, #tpu.memory_space<vmem>>
    %dma_wait3A_50 = arith.constant 0 : i32
    %dma_wait3A_51 = arith.constant 0 : i32
    %dma_wait3A_52 = tpu.memref_slice %arg15[%dma_wait3A_50, %dma_wait3A_51] : memref<10000x128xf32, #tpu.memory_space<vmem_shared>> -> memref<10000x128xf32, #tpu.memory_space<vmem_shared>>
    tpu.wait_indirect_dma semaphore(%arg19 : memref<!tpu.dma_semaphore, #tpu.memory_space<semaphore_mem>>) src(%dma_wait3A_49 : memref<128x128xf32, #tpu.memory_space<vmem>>) dst(%dma_wait3A_52 : memref<10000x128xf32, #tpu.memory_space<vmem_shared>>)
    %barrier3A_53 = arith.constant 0 : index
    tpu.barrier barrier_id(%barrier3A_53)
    %add3A_54 = arith.constant 0 : i32
    %add3A_55 = arith.addi %mul3A_24, %add3A_54 : i32
    %add3A_56 = arith.constant 0 : i32
    %add3A_57 = arith.addi %mul3A_24, %add3A_56 : i32
    "tpu.region"() ({
      %run_scoped3A = tpu.sem_alloc : memref<!tpu.dma_semaphore, #tpu.memory_space<semaphore_mem>>
      %dma_start3A_79 = arith.constant 0 : i32
      %dma_start3A_80 = tpu.memref_slice %arg6[%arg0, %add3A_57, %dma_start3A_79] : memref<2x10000x128xf32, #tpu.memory_space<hbm>> -> memref<1x128x128xf32, #tpu.memory_space<hbm>>
      %dma_start3A_81 = tpu.memref_squeeze %dma_start3A_80 : memref<1x128x128xf32, #tpu.memory_space<hbm>> -> memref<128x128xf32, #tpu.memory_space<hbm>>
      %dma_start3A_82 = arith.constant 0 : i32
      %dma_start3A_83 = tpu.memref_slice %arg15[%add3A_55, %dma_start3A_82] : memref<10000x128xf32, #tpu.memory_space<vmem_shared>> -> memref<128x128xf32, #tpu.memory_space<vmem_shared>>
      tpu.enqueue_dma source(%dma_start3A_83 : memref<128x128xf32, #tpu.memory_space<vmem_shared>>) target(%dma_start3A_81 : memref<128x128xf32, #tpu.memory_space<hbm>>) target_semaphore(%run_scoped3A : memref<!tpu.dma_semaphore, #tpu.memory_space<semaphore_mem>>)
      %dma_wait3A_84 = arith.constant 0 : i32
      %dma_wait3A_85 = tpu.memref_slice %arg6[%arg0, %add3A_57, %dma_wait3A_84] : memref<2x10000x128xf32, #tpu.memory_space<hbm>> -> memref<1x128x128xf32, #tpu.memory_space<hbm>>
      %dma_wait3A_86 = tpu.memref_squeeze %dma_wait3A_85 : memref<1x128x128xf32, #tpu.memory_space<hbm>> -> memref<128x128xf32, #tpu.memory_space<hbm>>
      %dma_wait3A_87 = arith.constant 0 : i32
      %dma_wait3A_88 = tpu.memref_slice %arg15[%add3A_55, %dma_wait3A_87] : memref<10000x128xf32, #tpu.memory_space<vmem_shared>> -> memref<128x128xf32, #tpu.memory_space<vmem_shared>>
      tpu.wait_dma2 semaphore(%run_scoped3A : memref<!tpu.dma_semaphore, #tpu.memory_space<semaphore_mem>>) src(%dma_wait3A_88 : memref<128x128xf32, #tpu.memory_space<vmem_shared>>) dst(%dma_wait3A_86 : memref<128x128xf32, #tpu.memory_space<hbm>>)
      tpu.yield
    }) : () -> ()
    %add3A_58 = arith.constant 128 : i32
    %add3A_59 = arith.addi %mul3A_24, %add3A_58 : i32
    %add3A_60 = arith.constant 128 : i32
    %add3A_61 = arith.addi %mul3A_24, %add3A_60 : i32
    "tpu.region"() ({
      %run_scoped3A = tpu.sem_alloc : memref<!tpu.dma_semaphore, #tpu.memory_space<semaphore_mem>>
      %dma_start3A_79 = arith.constant 0 : i32
      %dma_start3A_80 = tpu.memref_slice %arg6[%arg0, %add3A_61, %dma_start3A_79] : memref<2x10000x128xf32, #tpu.memory_space<hbm>> -> memref<1x128x128xf32, #tpu.memory_space<hbm>>
      %dma_start3A_81 = tpu.memref_squeeze %dma_start3A_80 : memref<1x128x128xf32, #tpu.memory_space<hbm>> -> memref<128x128xf32, #tpu.memory_space<hbm>>
      %dma_start3A_82 = arith.constant 0 : i32
      %dma_start3A_83 = tpu.memref_slice %arg15[%add3A_59, %dma_start3A_82] : memref<10000x128xf32, #tpu.memory_space<vmem_shared>> -> memref<128x128xf32, #tpu.memory_space<vmem_shared>>
      tpu.enqueue_dma source(%dma_start3A_83 : memref<128x128xf32, #tpu.memory_space<vmem_shared>>) target(%dma_start3A_81 : memref<128x128xf32, #tpu.memory_space<hbm>>) target_semaphore(%run_scoped3A : memref<!tpu.dma_semaphore, #tpu.memory_space<semaphore_mem>>)
      %dma_wait3A_84 = arith.constant 0 : i32
      %dma_wait3A_85 = tpu.memref_slice %arg6[%arg0, %add3A_61, %dma_wait3A_84] : memref<2x10000x128xf32, #tpu.memory_space<hbm>> -> memref<1x128x128xf32, #tpu.memory_space<hbm>>
      %dma_wait3A_86 = tpu.memref_squeeze %dma_wait3A_85 : memref<1x128x128xf32, #tpu.memory_space<hbm>> -> memref<128x128xf32, #tpu.memory_space<hbm>>
      %dma_wait3A_87 = arith.constant 0 : i32
      %dma_wait3A_88 = tpu.memref_slice %arg15[%add3A_59, %dma_wait3A_87] : memref<10000x128xf32, #tpu.memory_space<vmem_shared>> -> memref<128x128xf32, #tpu.memory_space<vmem_shared>>
      tpu.wait_dma2 semaphore(%run_scoped3A : memref<!tpu.dma_semaphore, #tpu.memory_space<semaphore_mem>>) src(%dma_wait3A_88 : memref<128x128xf32, #tpu.memory_space<vmem_shared>>) dst(%dma_wait3A_86 : memref<128x128xf32, #tpu.memory_space<hbm>>)
      tpu.yield
    }) : () -> ()
    %add3A_62 = arith.constant 256 : i32
    %add3A_63 = arith.addi %mul3A_24, %add3A_62 : i32
    %add3A_64 = arith.constant 256 : i32
    %add3A_65 = arith.addi %mul3A_24, %add3A_64 : i32
    "tpu.region"() ({
      %run_scoped3A = tpu.sem_alloc : memref<!tpu.dma_semaphore, #tpu.memory_space<semaphore_mem>>
      %dma_start3A_79 = arith.constant 0 : i32
      %dma_start3A_80 = tpu.memref_slice %arg6[%arg0, %add3A_65, %dma_start3A_79] : memref<2x10000x128xf32, #tpu.memory_space<hbm>> -> memref<1x128x128xf32, #tpu.memory_space<hbm>>
      %dma_start3A_81 = tpu.memref_squeeze %dma_start3A_80 : memref<1x128x128xf32, #tpu.memory_space<hbm>> -> memref<128x128xf32, #tpu.memory_space<hbm>>
      %dma_start3A_82 = arith.constant 0 : i32
      %dma_start3A_83 = tpu.memref_slice %arg15[%add3A_63, %dma_start3A_82] : memref<10000x128xf32, #tpu.memory_space<vmem_shared>> -> memref<128x128xf32, #tpu.memory_space<vmem_shared>>
      tpu.enqueue_dma source(%dma_start3A_83 : memref<128x128xf32, #tpu.memory_space<vmem_shared>>) target(%dma_start3A_81 : memref<128x128xf32, #tpu.memory_space<hbm>>) target_semaphore(%run_scoped3A : memref<!tpu.dma_semaphore, #tpu.memory_space<semaphore_mem>>)
      %dma_wait3A_84 = arith.constant 0 : i32
      %dma_wait3A_85 = tpu.memref_slice %arg6[%arg0, %add3A_65, %dma_wait3A_84] : memref<2x10000x128xf32, #tpu.memory_space<hbm>> -> memref<1x128x128xf32, #tpu.memory_space<hbm>>
      %dma_wait3A_86 = tpu.memref_squeeze %dma_wait3A_85 : memref<1x128x128xf32, #tpu.memory_space<hbm>> -> memref<128x128xf32, #tpu.memory_space<hbm>>
      %dma_wait3A_87 = arith.constant 0 : i32
      %dma_wait3A_88 = tpu.memref_slice %arg15[%add3A_63, %dma_wait3A_87] : memref<10000x128xf32, #tpu.memory_space<vmem_shared>> -> memref<128x128xf32, #tpu.memory_space<vmem_shared>>
      tpu.wait_dma2 semaphore(%run_scoped3A : memref<!tpu.dma_semaphore, #tpu.memory_space<semaphore_mem>>) src(%dma_wait3A_88 : memref<128x128xf32, #tpu.memory_space<vmem_shared>>) dst(%dma_wait3A_86 : memref<128x128xf32, #tpu.memory_space<hbm>>)
      tpu.yield
    }) : () -> ()
    %add3A_66 = arith.constant 384 : i32
    %add3A_67 = arith.addi %mul3A_24, %add3A_66 : i32
    %add3A_68 = arith.constant 384 : i32
    %add3A_69 = arith.addi %mul3A_24, %add3A_68 : i32
    "tpu.region"() ({
      %run_scoped3A = tpu.sem_alloc : memref<!tpu.dma_semaphore, #tpu.memory_space<semaphore_mem>>
      %dma_start3A_79 = arith.constant 0 : i32
      %dma_start3A_80 = tpu.memref_slice %arg6[%arg0, %add3A_69, %dma_start3A_79] : memref<2x10000x128xf32, #tpu.memory_space<hbm>> -> memref<1x128x128xf32, #tpu.memory_space<hbm>>
      %dma_start3A_81 = tpu.memref_squeeze %dma_start3A_80 : memref<1x128x128xf32, #tpu.memory_space<hbm>> -> memref<128x128xf32, #tpu.memory_space<hbm>>
      %dma_start3A_82 = arith.constant 0 : i32
      %dma_start3A_83 = tpu.memref_slice %arg15[%add3A_67, %dma_start3A_82] : memref<10000x128xf32, #tpu.memory_space<vmem_shared>> -> memref<128x128xf32, #tpu.memory_space<vmem_shared>>
      tpu.enqueue_dma source(%dma_start3A_83 : memref<128x128xf32, #tpu.memory_space<vmem_shared>>) target(%dma_start3A_81 : memref<128x128xf32, #tpu.memory_space<hbm>>) target_semaphore(%run_scoped3A : memref<!tpu.dma_semaphore, #tpu.memory_space<semaphore_mem>>)
      %dma_wait3A_84 = arith.constant 0 : i32
      %dma_wait3A_85 = tpu.memref_slice %arg6[%arg0, %add3A_69, %dma_wait3A_84] : memref<2x10000x128xf32, #tpu.memory_space<hbm>> -> memref<1x128x128xf32, #tpu.memory_space<hbm>>
      %dma_wait3A_86 = tpu.memref_squeeze %dma_wait3A_85 : memref<1x128x128xf32, #tpu.memory_space<hbm>> -> memref<128x128xf32, #tpu.memory_space<hbm>>
      %dma_wait3A_87 = arith.constant 0 : i32
      %dma_wait3A_88 = tpu.memref_slice %arg15[%add3A_67, %dma_wait3A_87] : memref<10000x128xf32, #tpu.memory_space<vmem_shared>> -> memref<128x128xf32, #tpu.memory_space<vmem_shared>>
      tpu.wait_dma2 semaphore(%run_scoped3A : memref<!tpu.dma_semaphore, #tpu.memory_space<semaphore_mem>>) src(%dma_wait3A_88 : memref<128x128xf32, #tpu.memory_space<vmem_shared>>) dst(%dma_wait3A_86 : memref<128x128xf32, #tpu.memory_space<hbm>>)
      tpu.yield
    }) : () -> ()
    %add3A_70 = arith.constant 512 : i32
    %add3A_71 = arith.addi %mul3A_24, %add3A_70 : i32
    %add3A_72 = arith.constant 512 : i32
    %add3A_73 = arith.addi %mul3A_24, %add3A_72 : i32
    "tpu.region"() ({
      %run_scoped3A = tpu.sem_alloc : memref<!tpu.dma_semaphore, #tpu.memory_space<semaphore_mem>>
      %dma_start3A_79 = arith.constant 0 : i32
      %dma_start3A_80 = tpu.memref_slice %arg6[%arg0, %add3A_73, %dma_start3A_79] : memref<2x10000x128xf32, #tpu.memory_space<hbm>> -> memref<1x112x128xf32, #tpu.memory_space<hbm>>
      %dma_start3A_81 = tpu.memref_squeeze %dma_start3A_80 : memref<1x112x128xf32, #tpu.memory_space<hbm>> -> memref<112x128xf32, #tpu.memory_space<hbm>>
      %dma_start3A_82 = arith.constant 0 : i32
      %dma_start3A_83 = tpu.memref_slice %arg15[%add3A_71, %dma_start3A_82] : memref<10000x128xf32, #tpu.memory_space<vmem_shared>> -> memref<112x128xf32, #tpu.memory_space<vmem_shared>>
      tpu.enqueue_dma source(%dma_start3A_83 : memref<112x128xf32, #tpu.memory_space<vmem_shared>>) target(%dma_start3A_81 : memref<112x128xf32, #tpu.memory_space<hbm>>) target_semaphore(%run_scoped3A : memref<!tpu.dma_semaphore, #tpu.memory_space<semaphore_mem>>)
      %dma_wait3A_84 = arith.constant 0 : i32
      %dma_wait3A_85 = tpu.memref_slice %arg6[%arg0, %add3A_73, %dma_wait3A_84] : memref<2x10000x128xf32, #tpu.memory_space<hbm>> -> memref<1x112x128xf32, #tpu.memory_space<hbm>>
      %dma_wait3A_86 = tpu.memref_squeeze %dma_wait3A_85 : memref<1x112x128xf32, #tpu.memory_space<hbm>> -> memref<112x128xf32, #tpu.memory_space<hbm>>
      %dma_wait3A_87 = arith.constant 0 : i32
      %dma_wait3A_88 = tpu.memref_slice %arg15[%add3A_71, %dma_wait3A_87] : memref<10000x128xf32, #tpu.memory_space<vmem_shared>> -> memref<112x128xf32, #tpu.memory_space<vmem_shared>>
      tpu.wait_dma2 semaphore(%run_scoped3A : memref<!tpu.dma_semaphore, #tpu.memory_space<semaphore_mem>>) src(%dma_wait3A_88 : memref<112x128xf32, #tpu.memory_space<vmem_shared>>) dst(%dma_wait3A_86 : memref<112x128xf32, #tpu.memory_space<hbm>>)
      tpu.yield
    }) : () -> ()
    %eq3A_74 = arith.constant 15 : i32
    %eq3A_75 = arith.cmpi eq, %arg1, %eq3A_74 : i32
    %convert_element_type3A_76 = arith.extui %eq3A_75 : i1 to i32
    %cond3A_77 = arith.constant 0 : i32
    %cond3A_78 = arith.cmpi ne, %convert_element_type3A_76, %cond3A_77 : i32
    scf.if %cond3A_78 {
      "tpu.region"() ({
        %run_scoped3A = tpu.sem_alloc : memref<!tpu.dma_semaphore, #tpu.memory_space<semaphore_mem>>
        %dma_start3A_79 = arith.constant 9984 : i32
        %dma_start3A_80 = arith.constant 0 : i32
        %dma_start3A_81 = tpu.memref_slice %arg6[%arg0, %dma_start3A_79, %dma_start3A_80] : memref<2x10000x128xf32, #tpu.memory_space<hbm>> -> memref<1x16x128xf32, #tpu.memory_space<hbm>>
        %dma_start3A_82 = tpu.memref_squeeze %dma_start3A_81 : memref<1x16x128xf32, #tpu.memory_space<hbm>> -> memref<16x128xf32, #tpu.memory_space<hbm>>
        %dma_start3A_83 = arith.constant 9984 : i32
        %dma_start3A_84 = arith.constant 0 : i32
        %dma_start3A_85 = tpu.memref_slice %arg15[%dma_start3A_83, %dma_start3A_84] : memref<10000x128xf32, #tpu.memory_space<vmem_shared>> -> memref<16x128xf32, #tpu.memory_space<vmem_shared>>
        tpu.enqueue_dma source(%dma_start3A_85 : memref<16x128xf32, #tpu.memory_space<vmem_shared>>) target(%dma_start3A_82 : memref<16x128xf32, #tpu.memory_space<hbm>>) target_semaphore(%run_scoped3A : memref<!tpu.dma_semaphore, #tpu.memory_space<semaphore_mem>>)
        %dma_wait3A_86 = arith.constant 9984 : i32
        %dma_wait3A_87 = arith.constant 0 : i32
        %dma_wait3A_88 = tpu.memref_slice %arg6[%arg0, %dma_wait3A_86, %dma_wait3A_87] : memref<2x10000x128xf32, #tpu.memory_space<hbm>> -> memref<1x16x128xf32, #tpu.memory_space<hbm>>
        %dma_wait3A_89 = tpu.memref_squeeze %dma_wait3A_88 : memref<1x16x128xf32, #tpu.memory_space<hbm>> -> memref<16x128xf32, #tpu.memory_space<hbm>>
        %dma_wait3A_90 = arith.constant 9984 : i32
        %dma_wait3A_91 = arith.constant 0 : i32
        %dma_wait3A_92 = tpu.memref_slice %arg15[%dma_wait3A_90, %dma_wait3A_91] : memref<10000x128xf32, #tpu.memory_space<vmem_shared>> -> memref<16x128xf32, #tpu.memory_space<vmem_shared>>
        tpu.wait_dma2 semaphore(%run_scoped3A : memref<!tpu.dma_semaphore, #tpu.memory_space<semaphore_mem>>) src(%dma_wait3A_92 : memref<16x128xf32, #tpu.memory_space<vmem_shared>>) dst(%dma_wait3A_89 : memref<16x128xf32, #tpu.memory_space<hbm>>)
        tpu.yield
      }) : () -> ()
    } else {
    }
    return
  }
}

module attributes {stable_mosaic.version = 14 : i64} {
  func.func @_fin_body(%arg0: i32, %arg1: memref<1x1xf32, #tpu.memory_space<smem>>, %arg2: memref<2x1000x128xf32, #tpu.memory_space<vmem>>, %arg3: memref<128x128xf32, #tpu.memory_space<vmem>>, %arg4: memref<1000x128xf32, #tpu.memory_space<vmem>>) attributes {dimension_semantics = [#tpu.dimension_semantics<arbitrary>], iteration_bounds = array<i64: 10>, scalar_prefetch = 0 : i64, scratch_operands = 0 : i64, tpu.core_type = #tpu.core_type<tc>, window_params = [{transform_indices = @transform_0, window_bounds = array<i64: 1, 1>}, {transform_indices = @transform_1, window_bounds = array<i64: 2, 1000, 128>}, {pipeline_mode = #tpu.pipeline_mode<synchronous>, transform_indices = @transform_2, window_bounds = array<i64: 128, 128>}, {transform_indices = @transform_3, window_bounds = array<i64: 1000, 128>}]} {
    %get3A = arith.constant 0 : index
    %get3A_0 = arith.constant 0 : index
    %get3A_1 = arith.constant 0 : index
    %get3A_2 = vector.load %arg2[%get3A, %get3A_0, %get3A_1] : memref<2x1000x128xf32, #tpu.memory_space<vmem>>, vector<1x1000x128xf32>
    %get3A_3 = vector.shape_cast %get3A_2 : vector<1x1000x128xf32> to vector<1000x128xf32>
    %get3A_4 = arith.constant 1 : index
    %get3A_5 = arith.constant 0 : index
    %get3A_6 = arith.constant 0 : index
    %get3A_7 = vector.load %arg2[%get3A_4, %get3A_5, %get3A_6] : memref<2x1000x128xf32, #tpu.memory_space<vmem>>, vector<1x1000x128xf32>
    %get3A_8 = vector.shape_cast %get3A_7 : vector<1x1000x128xf32> to vector<1000x128xf32>
    %add3A = arith.addf %get3A_3, %get3A_8 : vector<1000x128xf32>
    %get3A_9 = arith.constant 0 : index
    %get3A_10 = arith.constant 0 : index
    %get3A_11 = vector.load %arg3[%get3A_9, %get3A_10] : memref<128x128xf32, #tpu.memory_space<vmem>>, vector<128x128xf32>
    %dot_general3A = arith.constant dense<0.000000e+00> : vector<1000x128xf32>
    %dot_general3A_12 = tpu.matmul %add3A, %get3A_11, %dot_general3A {dimension_numbers = #tpu.dot_dimension_numbers<[1], [0], [0], [1], [0, 0, 1, 1], [], []>, transpose_lhs_hint = false} : vector<1000x128xf32>, vector<128x128xf32>, vector<1000x128xf32> -> vector<1000x128xf32>
    %get3A_13 = arith.constant 0 : index
    %get3A_14 = arith.constant 0 : index
    %get3A_15 = memref.load %arg1[%get3A_13, %get3A_14] : memref<1x1xf32, #tpu.memory_space<smem>>
    %gt3A = arith.constant 0.000000e+00 : f32
    %gt3A_16 = vector.broadcast %gt3A : f32 to vector<1000x128xf32>
    %gt3A_17 = arith.cmpf ogt, %dot_general3A_12, %gt3A_16 : vector<1000x128xf32>
    %mul3A = vector.broadcast %get3A_15 : f32 to vector<1000x128xf32>
    %mul3A_18 = arith.mulf %mul3A, %dot_general3A_12 : vector<1000x128xf32>
    %select_n3A = arith.select %gt3A_17, %dot_general3A_12, %mul3A_18 : vector<1000x128xi1>, vector<1000x128xf32>
    %swap3A = arith.constant 0 : index
    %swap3A_19 = arith.constant 0 : index
    %swap3A_20 = vector.load %arg4[%swap3A, %swap3A_19] : memref<1000x128xf32, #tpu.memory_space<vmem>>, vector<1000x128xf32>
    tpu.vector_store %arg4[%swap3A, %swap3A_19], %select_n3A {strides = array<i32>} : memref<1000x128xf32, #tpu.memory_space<vmem>>, vector<1000x128xf32>,
    return
  }
  func.func @transform_0(%arg0: i32) -> (i32, i32) {
    %c0_i32 = arith.constant 0 : i32
    %c0_i32_0 = arith.constant 0 : i32
    %c0_i32_1 = arith.constant 0 : i32
    return %c0_i32, %c0_i32_0 : i32, i32
  }
  func.func @transform_1(%arg0: i32) -> (i32, i32, i32) {
    %c0_i32 = arith.constant 0 : i32
    %c0_i32_0 = arith.constant 0 : i32
    %c0_i32_1 = arith.constant 0 : i32
    return %c0_i32, %arg0, %c0_i32_0 : i32, i32, i32
  }
  func.func @transform_2(%arg0: i32) -> (i32, i32) {
    %c0_i32 = arith.constant 0 : i32
    %c0_i32_0 = arith.constant 0 : i32
    %c0_i32_1 = arith.constant 0 : i32
    return %c0_i32, %c0_i32_0 : i32, i32
  }
  func.func @transform_3(%arg0: i32) -> (i32, i32) {
    %c0_i32 = arith.constant 0 : i32
    %c0_i32_0 = arith.constant 0 : i32
    return %arg0, %c0_i32 : i32, i32
  }
}

</mosaic_0001>

<sc_bundles>
// kernel: kernel.4.cloned.1.call-start
scs
__scs_entry_jumppad:
0x0: {  	(pc) =	sbr.rel $0x88, $3  }
0x1: {  	(tag) =	ssettag $0x0;
	lr =	simm.s32 $0x1  }
0x2: {  	[smem:$0x3F9C] =	sst lr;
	_ =	strace $0xD0000000  }
0x3: {  	_ = 	snop  }
0x4: {  	_ = 	snop  }
0x5: {  	_ = 	snop  }
0x6: {  	_ = 	snop  }
0x7: {  	_ = 	snop  }
__scs_overlays_trampoline_lowered:
0x8: {  	[smem:$0x3FAB] =	sst s0  }
0x9: {  	[smem:$0x3FAC] =	sst s1  }
0xa: {  	[smem:$0x3FAD] =	sst s2  }
0xb: {  	[smem:$0x3FAE] =	sst s3  }
0xc: {  	[smem:$0x3FAF] =	sst s4  }
0xd: {  	[smem:$0x3FB0] =	sst s5  }
0xe: {  	[smem:$0x3FB1] =	sst s6  }
0xf: {  	[smem:$0x3FB2] =	sst s7  }
0x10: {  	[smem:$0x3FB3] =	sst s8  }
0x11: {  	[smem:$0x3FB4] =	sst s9;
	s0 =	simm.s32 @!p0 $0x0  }
0x12: {  	s1 =	sld [smem:$0x3F9A];
	s0 =	simm.s32 @p0 $0x1  }
0x13: {  	[smem:$0x3FB5] =	sst s0;
	s0 =	simm.s32 @!p1 $0x0  }
0x14: {  	s2 =	sld [smem:$0x3F99];
	s0 =	simm.s32 @p1 $0x1  }
0x15: {  	[smem:$0x3FB6] =	sst s0;
	s0 =	simm.s32 @!p2 $0x0  }
0x16: {  	s3 =	sld [smem:$0x3FDB];
	s0 =	simm.s32 @p2 $0x1  }
0x17: {  	s4 =	simm.s32 $0x1BF5;
	[smem:$0x3FB8] =	sst s0  }
0x18: {  	s0 =	sld [smem:$0x3F9B];
	_ =	swait.ge [sflag:s4], $0x0  }
0x19: {  	s7 =	sld [smem:$0x3F9C]  }
0x1a: {  	s8 =	sadd.s32 $0xFFFFE003, lr  }
0x1b: {  	s9 =	sadd.s32 $0xFFFFFEF7, lr;
	s5 =	simm.s32 $0xFFFFFFFF;
	p2 =	slt.u32 s8, $0xFFFFF086  }
0x1c: {  	p1 =	slt.u32 s9, $0xF7A;
	s5 =	simm.s32 @!p2 $0x0  }
0x1d: {  	s5 =	simm.s32 @p1 $0x1;
	p0 =	seq.s32 s7, s2  }
0x1e: {  	s7 =	smul.u32 @!p0 $0xF7A, s2;
	p2 =	seq.s32 @!p0 s5, $0x0  }
0x1f: {  	s9 =	smul.u32 $0xF7A, s1;
	s8 =	simm.s32 @!p0 $0x1BF5;
	p2 =	por !p2, p0  }
0x20: {  	[sflag:s8] =	ssyncset.s32 @!p0 $0xFFFFF086;
	s6 =	sadd.s32 @!p0 s3, s7;
	s7 =	simm.s32 @!p0 $0x108  }
0x21: {  	s3 =	sadd.s32 s3, s9;
	s6 =	sadd.s32 @!p0 $0x88, s6;
	s7 =	simm.s32 @p2 $0x1082  }
0x22: {  	[simem:s7], [sflag:s8] =	dma.local @!p0 [hbm:s6], $0xF7A  }
0x23: {  	s9 =	sor.u32 $0xD0000000, s2;
	s6 =	simm.s32 $0x108;
	_ =	swait.ge @!p0 [sflag:s8], $0x0  }
0x24: {  	s3 =	sadd.s32 $0x88, s3;
	s6 =	simm.s32 @!p1 $0x1082;
	[sflag:s4] =	ssyncset.s32 $0xFFFFF086  }
0x25: {  	[simem:s6], [sflag:s4] =	dma.local [hbm:s3], $0xF7A  }
0x26: {  	[smem:$0x3F9C] =	sst s1;
	(tag) =	ssettag s2;
	_ =	strace s9  }
0x27: {  	s1 =	sld [smem:$0x3FAC]  }
0x28: {  	s2 =	sld [smem:$0x3FAD]  }
0x29: {  	s4 =	sld [smem:$0x3FAF]  }
0x2a: {  	p0 =	seq.s32 s5, $0x0;
	s5 =	sld [smem:$0x3FB0]  }
0x2b: {  	s6 =	sld [smem:$0x3FB1]  }
0x2c: {  	s7 =	sld [smem:$0x3FB2]  }
0x2d: {  	s3 =	simm.s32 $0x108;
	s8 =	sld [smem:$0x3FB3]  }
0x2e: {  	s3 =	simm.s32 @!p0 $0x1082;
	s9 =	sld [smem:$0x3FB4]  }
0x2f: {  	lr =	sadd.s32 s0, s3;
	s0 =	sld [smem:$0x3FAB]  }
0x30: {  	s3 =	sld [smem:$0x3FAE]  }
0x31: {  	[smem:$0x3FB7] =	sst s10  }
0x32: {  	s10 =	sld [smem:$0x3FB5];
	_ =	sdelay $0x3  }
0x33: {  	p0 =	seq.s32 s10, $0x1;
	s10 =	sld [smem:$0x3FB7];
	_ =	sdelay $0x3  }
0x34: {  	[smem:$0x3FB7] =	sst s10  }
0x35: {  	s10 =	sld [smem:$0x3FB6];
	_ =	sdelay $0x3  }
0x36: {  	p1 =	seq.s32 s10, $0x1;
	s10 =	sld [smem:$0x3FB7];
	_ =	sdelay $0x3  }
0x37: {  	[smem:$0x3FB7] =	sst s10  }
0x38: {  	s10 =	sld [smem:$0x3FB8]  }
0x39: {  	_ = 	snop;
	(pc) =	sbr.ind lr, $3  }
0x3a: {  	_ = 	snop  }
0x3b: {  	_ = 	snop  }
0x3c: {  	p2 =	seq.s32 s10, $0x1;
	s10 =	sld [smem:$0x3FB7]  }
0x3d: {  	_ =	shalt  }
0x3e: {  	_ =	shalt  }
0x3f: {  	_ =	shalt  }
0x40: {  	_ =	shalt  }
0x41: {  	_ =	shalt  }
0x42: {  	_ =	shalt  }
0x43: {  	_ =	shalt  }
0x44: {  	_ =	shalt  }
0x45: {  	_ =	shalt  }
0x46: {  	_ =	shalt  }
0x47: {  	_ =	shalt  }
0x48: {  	_ =	shalt  }
0x49: {  	_ =	shalt  }
0x4a: {  	_ =	shalt  }
0x4b: {  	_ =	shalt  }
0x4c: {  	_ =	shalt  }
0x4d: {  	_ =	shalt  }
0x4e: {  	_ =	shalt  }
0x4f: {  	_ =	shalt  }
0x50: {  	_ =	shalt  }
0x51: {  	_ =	shalt  }
0x52: {  	_ =	shalt  }
0x53: {  	_ =	shalt  }
0x54: {  	_ =	shalt  }
0x55: {  	_ =	shalt  }
0x56: {  	_ =	shalt  }
0x57: {  	_ =	shalt  }
0x58: {  	_ =	shalt  }
0x59: {  	_ =	shalt  }
0x5a: {  	_ =	shalt  }
0x5b: {  	_ =	shalt  }
0x5c: {  	_ =	shalt  }
0x5d: {  	_ =	shalt  }
0x5e: {  	_ =	shalt  }
0x5f: {  	_ =	shalt  }
0x60: {  	_ =	shalt  }
0x61: {  	_ =	shalt  }
0x62: {  	_ =	shalt  }
0x63: {  	_ =	shalt  }
0x64: {  	_ =	shalt  }
0x65: {  	_ =	shalt  }
0x66: {  	_ =	shalt  }
0x67: {  	_ =	shalt  }
0x68: {  	_ =	shalt  }
0x69: {  	_ =	shalt  }
0x6a: {  	_ =	shalt  }
0x6b: {  	_ =	shalt  }
0x6c: {  	_ =	shalt  }
0x6d: {  	_ =	shalt  }
0x6e: {  	_ =	shalt  }
0x6f: {  	_ =	shalt  }
0x70: {  	_ =	shalt  }
0x71: {  	_ =	shalt  }
0x72: {  	_ =	shalt  }
0x73: {  	_ =	shalt  }
0x74: {  	_ =	shalt  }
0x75: {  	_ =	shalt  }
0x76: {  	_ =	shalt  }
0x77: {  	_ =	shalt  }
0x78: {  	_ =	shalt  }
0x79: {  	_ =	shalt  }
0x7a: {  	_ =	shalt  }
0x7b: {  	_ =	shalt  }
0x7c: {  	_ =	shalt  }
0x7d: {  	_ =	shalt  }
0x7e: {  	_ =	shalt  }
0x7f: {  	_ =	shalt  }
0x80: {  	_ =	shalt  }
0x81: {  	_ =	shalt  }
0x82: {  	_ =	shalt  }
0x83: {  	_ =	shalt  }
0x84: {  	_ =	shalt  }
0x85: {  	_ =	shalt  }
0x86: {  	_ =	shalt  }
0x87: {  	_ =	shalt  }
.Lfunc_end0:
.L_simem_size_0:
called_computation_lowered:
.L_overlay_start_0:
0x88: {  	s2 =	sld [smem:$0x3FD9]  }
0x89: {  	s3 =	sld [smem:$0x3FFE];
	_ =	sdelay $0x1  }
0x8a: {  	s1 =	srdreg.scid  }
0x8b: {  	s0 =	sand.u32 $0x1, s1  }
0x8c: {  	s17 =	sshll.u32 s0, $0xA;
	s2 =	sadd.s32 s3, s2  }
0x8d: {  	s2 =	sadd.s32 s2, s17  }
0x8e: {  	[smem:$0x3FC3] =	sst s2  }
0x8f: {  	_ = 	snop  }
0x90: {  	s2 =	sld [smem:$0x3FC9]  }
0x91: {  	s18 =	sld [smem:$0x3FD0];
	(tm) =	ssettm $0x1  }
0x92: {  	s4 =	sld [smem:$0x3FFB];
	_ =	sdelay $0x3  }
0x93: {  	_ =	strace s4  }
0x94: {  	s4 =	sld [smem:$0x3FFC];
	_ =	sdelay $0x3  }
0x95: {  	_ =	strace s4  }
0x96: {  	s4 =	sld [smem:$0x3FFD];
	_ =	sdelay $0x3  }
0x97: {  	_ =	strace s4  }
0x98: {  	_ =	strace $0x8FFFFFFF  }
0x99: {  	s19 =	sld [smem:$0x3FDB];
	_ =	sdelay $0x1  }
0x9a: {  	s5 =	simm.s32 $_scs_section_size  }
0x9b: {  	s6 =	simm.s32 $_size__tile_overlayer_lowered;
	s7 =	simm.s32 $_tile_overlayer_lowered  }
0x9c: {  	s22 =	simm.s32 $0x1BFF;
	s21 =	sshll.u32 s7, $0x1;
	s4 =	sadd.s32 s5, s19  }
0x9d: {  	s8 =	simm.s32 $0x0;
	s20 =	sshll.u32 s6, $0x1;
	s6 =	sadd.s32 s21, s4  }
0x9e: {  	[timem:s8], [sflag:s22] =	dma.local [hbm:s6], s20  }
0x9f: {  	_ =	swait.ge [sflag:s22], s20  }
0xa0: {  	s5 =	ssub.s32 $0x0, s20;
	[sflag:s22] =	ssyncset.done $0x0  }
0xa1: {  	[sflag:s22] =	ssyncadd.s32 s5;
	_ =	sdelay $0x1  }
0xa2: {  	s23 =	simm.s32 $0x1B8B  }
0xa3: {  	_ =	swait.ge [sflag:s23], $0x1  }
0xa4: {  	[sflag:s23] =	ssyncset.done $0x0  }
0xa5: {  	s25 =	simm.s32 $0x1B8E;
	s24 =	sld [smem:$0x3FFE];
	[sflag:s23] =	ssyncadd.s32 $0xFFFFFFFF  }
0xa6: {  	s26 =	simm.s32 $execute0_lowered;
	[smem:$0x3FD2] =	sst s25  }
0xa7: {  	s6 =	sshll.u32 s26, $0x1;
	_ =	strace $0x80000046;
	[dreg:$0x1] =	wrdreg $0xFFFFFFFF  }
0xa8: {  	s28 =	simm.s32 $_size_execute0_lowered;
	s4 =	sadd.s32 s4, s6;
	[dreg:$0x0] =	wrdreg $0x0  }
0xa9: {  	s6 =	sshll.u32 s28, $0x1;
	[dreg:$0x2] =	wrdreg s4  }
0xaa: {  	[dreg:$0x3] =	wrdreg s6  }
0xab: {  	[dreg:$0x4] =	wrdreg $0xC0  }
0xac: {  	_ =	task [dreg:s8], $0x5FFFF  }
0xad: {  	[dreg:$0x1] =	wrdreg $0xFFFFFFFF  }
0xae: {  	[dreg:$0x0] =	wrdreg $0x60  }
0xaf: {  	[dreg:$0x2] =	wrdreg s2  }
0xb0: {  	[dreg:$0x3] =	wrdreg s18  }
0xb1: {  	[dreg:$0x4] =	wrdreg s24  }
0xb2: {  	[dreg:$0x5] =	wrdreg $0x92000  }
0xb3: {  	[dreg:$0x6] =	wrdreg $0x9  }
0xb4: {  	_ =	task.clear_ibuf [dreg:s8], $0x7FFFF;
	_ =	strace $0x90000046  }
0xb5: {  	s29 =	simm.s32 $0x9;
	_ =	strace $0x80000048  }
0xb6: {  	_ =	swait.ge [sflag:s29], $0x1  }
0xb7: {  	[sflag:s29] =	ssyncadd.s32 $0xFFFFFFFF  }
0xb8: {  	_ =	strace $0x90000048  }
0xb9: {  	_ =	sfence  }
0xba: {  	s30 =	sld [smem:$0x0];
	_ =	sdelay $0x2  }
0xbb: {  	s31 =	sshll.u32 s1, $0xD;
	s1 =	sshrl.u32 s1, $0x2  }
0xbc: {  	s3 =	sand.u32 $0x4000, s31;
	s1 =	sadd.s32 s1, s30  }
0xbd: {  	s0 =	sor.u32 s3, s0;
	s1 =	sshll.u32 s1, $0x11  }
0xbe: {  	s0 =	sor.u32 s1, s0  }
0xbf: {  	s0 =	sadd.s32 $0x8F2B, s0  }
0xc0: {  	[sflag:s0] =	ssyncadd.remote.s32 $0x1  }
0xc1: {  	_ =	sfence.sel $0xFFFF  }
0xc2: {  	[dreg:$0x0] =	wrdreg $0xFFFFFFFF;
	(pc) =	sbr.abs _section_cstart, $3  }
0xc3: {  	[dreg:$0x1] =	wrdreg $0xFFFFFFFF  }
0xc4: {  	_ =	task.clear_ibuf [dreg:s8], $0x2FFFF;
	_ =	strace $0x9FFFFFFF  }
0xc5: {  	(tm) =	ssettm $0x7FFFFFFF  }
tec
execute0_lowered:
.L_overlay_start_1:
0x0: {  	(tag) =	ssettag $0x1  }
0x1: {  	s0 =	rddreg [dreg:$0x0]  }
0x2: {  	s1 =	rddreg [dreg:$0x1]  }
0x3: {  	s2 =	srdreg.scid;
	s4 =	rddreg [dreg:$0x2]  }
0x4: {  	s3 =	rddreg [dreg:$0x3];
	s24 =	stileid.u32  }
0x5: {  	s28 =	simm.s32 $0x100;
	s30 =	simm.s32 $0x80;
	s31 =	simm.s32 $0x1200  }
0x6: {  	s29 =	simm.s32 $0xA00;
	s2 =	sand.u32 $0x1, s2;
	s11 =	smul.u32 $0x13800, s24  }
0x7: {  	s6 =	sadd.s32 $0x200, s4;
	s7 =	sadd.s32 $0x50A200, s4;
	s14 =	smul.u32 $0x2800, s24  }
0x8: {  	s4 =	sadd.s32 $0xA200, s4;
	s5 =	sshll.u32 s2, $0x4;
	s22 =	smul.u32 $0x138800, s2  }
0x9: {  	s9 =	ssub.s32 $0x2, s2;
	s2 =	smul.u32 $0x28000, s2;
	s5 =	sor.u32 s24, s5  }
0xa: {  	p0 =	sne.s32 s24, $0xF;
	s10 =	sshrl.u32 s9, $0x1;
	s8 =	smul.u32 $0x2800, s5  }
0xb: {  	s20 =	sadd.s32 $0x8000, s11;
	s5 =	smul.u32 $0x5000, s5;
	s9 =	ssub.s32 s9, s10  }
0xc: {  	s12 =	sadd.s32 s11, s22;
	s25 =	sadd.s32 s22, s20;
	s2 =	sadd.s32 s14, s2  }
0xd: {  	s10 =	sshrl.u32 s22, $0x3;
	s20 =	sadd.s32 s20, s3;
	s12 =	sshrl.u32 s12, $0x3  }
0xe: {  	s17 =	sor.u32 $0x100, s2;
	s8 =	sshrl.u32 s8, $0x3;
	s5 =	sadd.s32 s7, s5  }
0xf: {  	s12 =	sadd.s32 s4, s12;
	s18 =	sshll.u32 s17, $0x1;
	[dreg:$0x8] =	wrdreg s5  }
0x10: {  	s19 =	sshrl.u32 s17, $0x3;
	s17 =	simm.s32 $0x0;
	[dreg:$0x9] =	wrdreg s12  }
0x11: {  	s2 =	sor.u32 $0x80, s2;
	s21 =	sadd.s32 s1, s8;
	[smem:$0x7FF] =	sst s17  }
0x12: {  	s8 =	sadd.s32 s6, s8;
	s5 =	smul.u32 $0x4E000, s24;
	[dreg:$0x6] =	wrdreg s21  }
0x13: {  	s14 =	sadd.s32 s19, s6;
	[dreg:$0x7] =	wrdreg s8;
	s8 =	sadd.s32 $0x4000, s11  }
0x14: {  	s21 =	sadd.s32 $0xC000, s11;
	s11 =	sadd.s32 $0x10000, s11;
	s13 =	sadd.s32 s22, s8  }
0x15: {  	s26 =	sadd.s32 s22, s21;
	s15 =	sadd.s32 s22, s11;
	s22 =	sshll.u32 s2, $0x1  }
0x16: {  	s2 =	sshrl.u32 s2, $0x3;
	s21 =	sadd.s32 s21, s3;
	s23 =	sshrl.u32 s13, $0x3  }
0x17: {  	s13 =	sshrl.u32 s26, $0x3;
	s16 =	sshrl.u32 s15, $0x3;
	s15 =	sadd.s32 s19, s1  }
0x18: {  	s1 =	sadd.s32 s2, s1;
	s19 =	sadd.s32 s8, s3;
	s12 =	sadd.s32 s4, s23  }
0x19: {  	s26 =	smax.u32 s9, $0x1;
	[dreg:$0xa] =	wrdreg s12;
	s12 =	sshrl.u32 s25, $0x3  }
0x1a: {  	s8 =	simm.s32 $0x0;
	s23 =	sshrl.u32 s5, $0x2;
	s12 =	sadd.s32 s4, s12  }
0x1b: {  	s5 =	simm.s32 $0x2;
	[dreg:$0xb] =	wrdreg s12;
	s12 =	sadd.s32 s4, s13  }
0x1c: {  	[dreg:$0xc] =	wrdreg s12;
	s12 =	sadd.s32 s4, s16;
	s4 =	sadd.s32 s4, s10  }
0x1d: {  	s10 =	sadd.s32 s18, s7;
	s7 =	sadd.s32 s22, s7;
	[dreg:$0xd] =	wrdreg s12  }
0x1e: {  	s16 =	sadd.s32 s2, s6;
	s18 =	sadd.s32 s23, s3;
	[dreg:$0xe] =	wrdreg s10  }
0x1f: {  	s22 =	sadd.s32 s11, s3;
	s23 =	sadd.s32 $0x138000, s3;
	[dreg:$0xf] =	wrdreg s7  }
0x20: {  	s25 =	sadd.s32 $0x27000, s4;
	_ =	strace $0x80000047;
	[dreg:$0x5] =	wrdreg s1  }
0x21: {  	s2 =	simm.s32 $0x180;
	s4 =	simm.s32 $0x1;
	[dreg:$0x10] =	wrdreg s25  }
0x22: {  	v0 =	vimm.f32 $0.0e+00;
	[dreg:$0x11] =	wrdreg s26;
	s26 =	simm.s32 $0x5;
	s1 =	simm.s32 $0x5200  }
.LBB2_1:
0x23: {  	s6 =	rddreg [dreg:$0x6]  }
0x24: {  	[tilespmem:s17], [sflag:$0x5] =	stream.linear.gather [hbm4b:s6+s17], $0x80, $0x38;
	[tilespmem:$0x1CA80] =	vst v63  }
0x25: {  	_ =	swait.ge [sflag:s26], $0x80  }
0x26: {  	[sflag:s26] =	ssyncset.done $0x0  }
0x27: {  	s24 =	rddreg [dreg:$0x7];
	[sflag:s26] =	ssyncadd.s32 $0xFFFFFF80  }
0x28: {  	[tilespmem:s28], [sflag:$0x5] =	stream.linear.gather [hbm4b:s24+s17], $0x80, $0x38;
	[tilespmem:$0x1CA80] =	vst v63  }
0x29: {  	_ =	swait.ge [sflag:s26], $0x80  }
0x2a: {  	[sflag:s26] =	ssyncset.done $0x0  }
0x2b: {  	s7 =	simm.s32 $0x200;
	s25 =	rddreg [dreg:$0x8];
	[sflag:s26] =	ssyncadd.s32 $0xFFFFFF80  }
0x2c: {  	[tilespmem:s7], [sflag:$0x5] =	stream.linear.gather [hbm4b:s25+s17], $0x800, $0x38;
	[tilespmem:$0x1CA80] =	vst v63  }
0x2d: {  	_ =	swait.ge [sflag:s26], $0x800  }
0x2e: {  	[sflag:s26] =	ssyncset.done $0x0  }
0x2f: {  	s9 =	simm.s32 $0x0;
	s10 =	simm.s32 $0x200;
	[sflag:s26] =	ssyncadd.s32 $0xFFFFF800  }
0x30: {  	[tilespmem:s31], [sflag:$0x1] =	stream.indirect.gather [hbm4b:s0+s30], $0x80, s17, s30, $0xb8;
	[tilespmem:$0x1CA80] =	vst v63  }
.LBB2_2:
0x31: {  	p1 =	sne.s32 s10, $0xFE00;
	[tilespmem:s9+$0x5270] =	vst v0  }
0x32: {  	[tilespmem:s9+$0x5200] =	vst v0  }
0x33: {  	[tilespmem:s9+$0x5210] =	vst v0  }
.Ltmp0:
0x34: {  	[tilespmem:s9+$0x5220] =	vst v0;
	(pc) =	sbr.rel @p1 .LBB2_2-.Ltmp0, $4  }
0x35: {  	[tilespmem:s9+$0x5230] =	vst v0  }
0x36: {  	[tilespmem:s9+$0x5240] =	vst v0  }
0x37: {  	[tilespmem:s9+$0x5250] =	vst v0  }
0x38: {  	[tilespmem:s9+$0x5260] =	vst v0;
	s9 =	sshra.s32 s10, $0x2;
	s10 =	sadd.s32 $0x200, s10  }
0x39: {  	[tilespmem:s9+$0x5270] =	vst v0  }
0x3a: {  	[tilespmem:s9+$0x5200] =	vst v0  }
0x3b: {  	[tilespmem:s9+$0x5210] =	vst v0  }
0x3c: {  	[tilespmem:s9+$0x5220] =	vst v0  }
0x3d: {  	[tilespmem:s9+$0x5230] =	vst v0  }
0x3e: {  	[tilespmem:s9+$0x5240] =	vst v0  }
0x3f: {  	[tilespmem:s9+$0x5250] =	vst v0  }
0x40: {  	[tilespmem:s9+$0x5260] =	vst v0  }
0x41: {  	[spmem:s18] =	stream.linear.scatter [tilespmem:s1], [sflag:$0x5], $0x4000, $0x38;
	[tilespmem:$0x1CA80] =	vst v63  }
0x42: {  	_ =	swait.ge [sflag:s26], $0x4000  }
0x43: {  	[sflag:s26] =	ssyncset.done $0x0  }
0x44: {  	[sflag:s26] =	ssyncadd.s32 $0xFFFFC000  }
0x45: {  	[spmem:s19] =	stream.linear.scatter [tilespmem:s1], [sflag:$0x5], $0x4000, $0x38;
	[tilespmem:$0x1CA80] =	vst v63  }
0x46: {  	_ =	swait.ge [sflag:s26], $0x4000  }
0x47: {  	[sflag:s26] =	ssyncset.done $0x0  }
0x48: {  	[sflag:s26] =	ssyncadd.s32 $0xFFFFC000  }
0x49: {  	[spmem:s20] =	stream.linear.scatter [tilespmem:s1], [sflag:$0x5], $0x4000, $0x38;
	[tilespmem:$0x1CA80] =	vst v63  }
0x4a: {  	_ =	swait.ge [sflag:s26], $0x4000  }
0x4b: {  	[sflag:s26] =	ssyncset.done $0x0  }
0x4c: {  	[sflag:s26] =	ssyncadd.s32 $0xFFFFC000  }
0x4d: {  	[spmem:s21] =	stream.linear.scatter [tilespmem:s1], [sflag:$0x5], $0x4000, $0x38;
	[tilespmem:$0x1CA80] =	vst v63  }
0x4e: {  	_ =	swait.ge [sflag:s26], $0x4000  }
0x4f: {  	[sflag:s26] =	ssyncset.done $0x0  }
0x50: {  	[sflag:s26] =	ssyncadd.s32 $0xFFFFC000  }
0x51: {  	[spmem:s22] =	stream.linear.scatter [tilespmem:s1], [sflag:$0x5], $0x3800, $0x38;
	[tilespmem:$0x1CA80] =	vst v63  }
0x52: {  	_ =	swait.ge [sflag:s26], $0x3800  }
0x53: {  	[sflag:s26] =	ssyncset.done $0x0  }
0x54: {  	s9 =	simm.s32 @!p0 $0x5200;
	[sflag:s26] =	ssyncadd.s32 $0xFFFFC800  }
0x55: {  	[spmem:s23] =	stream.linear.scatter @!p0 [tilespmem:s9], [sflag:$0x5], $0x800, $0x38;
	[tilespmem:$0x1CA80] =	vst v63  }
0x56: {  	s9 =	simm.s32 @!p0 $0x5  }
0x57: {  	_ =	swait.ge @!p0 [sflag:s9], $0x800  }
0x58: {  	[sflag:s9] =	ssyncset.done @!p0 $0x0  }
0x59: {  	p1 =	por $0x1, $0x1;
	[sflag:s9] =	ssyncadd.s32 @!p0 $0xFFFFF800  }
0x5a: {  	s9 =	simm.s32 @!p1 $0x4;
	[bflag:$0x0] =	sbarrier.arrive $0xFFFF  }
0x5b: {  	_ =	swait.ge @!p1 [sflag:s9], $0x4000  }
0x5c: {  	s10 =	rddreg [dreg:$0x5];
	[sflag:s9] =	ssyncset.done @!p1 $0x0  }
0x5d: {  	[sflag:s9] =	ssyncadd.s32 @!p1 $0xFFFFC000;
	s24 =	sadd.s32 $0x0, s10  }
0x5e: {  	[tilespmem:s30], [sflag:$0x5] =	stream.linear.gather [hbm4b:s24+s17], $0x80, $0x38;
	[tilespmem:$0x1CA80] =	vst v63  }
0x5f: {  	_ =	swait.ge [sflag:s26], $0x80  }
0x60: {  	[sflag:s26] =	ssyncset.done $0x0  }
0x61: {  	s25 =	sadd.s32 $0x0, s16;
	[sflag:s26] =	ssyncadd.s32 $0xFFFFFF80  }
0x62: {  	[tilespmem:s2], [sflag:$0x5] =	stream.linear.gather [hbm4b:s25+s17], $0x80, $0x38;
	[tilespmem:$0x1CA80] =	vst v63  }
0x63: {  	_ =	swait.ge [sflag:s26], $0x80  }
0x64: {  	[sflag:s26] =	ssyncset.done $0x0  }
0x65: {  	s7 =	rddreg [dreg:$0xf];
	[sflag:s26] =	ssyncadd.s32 $0xFFFFFF80  }
0x66: {  	[tilespmem:s29], [sflag:$0x5] =	stream.linear.gather [hbm4b:s7+s17], $0x800, $0x38;
	[tilespmem:$0x1CA80] =	vst v63  }
0x67: {  	_ =	swait.ge [sflag:s26], $0x800  }
0x68: {  	[sflag:s26] =	ssyncset.done $0x0  }
0x69: {  	[sflag:s26] =	ssyncadd.s32 $0xFFFFF800  }
0x6a: {  	[tilespmem:s1], [sflag:$0x2] =	stream.indirect.gather [hbm4b:s0+s30], $0x80, s30, s30, $0xb8;
	[tilespmem:$0x1CA80] =	vst v63  }
0x6b: {  	_ =	swait.ge [sflag:s4], $0x4000  }
0x6c: {  	p1 =	por $0x0, $0x0;
	[sflag:s4] =	ssyncset.done $0x0  }
0x6d: {  	s9 =	simm.s32 @!p1 $0x3;
	[sflag:s4] =	ssyncadd.s32 $0xFFFFC000  }
0x6e: {  	[spmem:s3] =	stream.indirect.scatter.add.f32 [tilespmem:s31], [sflag:$0x3], $0x80, s28, s30, $0xb8;
	[tilespmem:$0x1CA80] =	vst v63  }
0x6f: {  	_ =	swait.ge @!p1 [sflag:s9], $0x4000  }
0x70: {  	s10 =	sadd.s32 @!p1 $0x0, s15;
	[sflag:s9] =	ssyncset.done @!p1 $0x0  }
0x71: {  	s11 =	simm.s32 @!p1 $0x0;
	[sflag:s9] =	ssyncadd.s32 @!p1 $0xFFFFC000;
	s9 =	simm.s32 @!p1 $0x5  }
0x72: {  	[tilespmem:s11], [sflag:$0x5] =	stream.linear.gather @!p1 [hbm4b:s10+s11], $0x80, $0x38;
	[tilespmem:$0x1CA80] =	vst v63  }
0x73: {  	_ =	swait.ge @!p1 [sflag:s9], $0x80  }
0x74: {  	[sflag:s9] =	ssyncset.done @!p1 $0x0  }
0x75: {  	s24 =	simm.s32 @!p1 $0x100;
	s10 =	sadd.s32 @!p1 $0x0, s14;
	[sflag:s9] =	ssyncadd.s32 @!p1 $0xFFFFFF80  }
0x76: {  	[tilespmem:s24], [sflag:$0x5] =	stream.linear.gather @!p1 [hbm4b:s10+s11], $0x80, $0x38;
	[tilespmem:$0x1CA80] =	vst v63  }
0x77: {  	_ =	swait.ge @!p1 [sflag:s9], $0x80  }
0x78: {  	[sflag:s9] =	ssyncset.done @!p1 $0x0  }
0x79: {  	s10 =	simm.s32 @!p1 $0x200;
	s6 =	rddreg [dreg:$0xe];
	[sflag:s9] =	ssyncadd.s32 @!p1 $0xFFFFFF80  }
0x7a: {  	[tilespmem:s10], [sflag:$0x5] =	stream.linear.gather @!p1 [hbm4b:s6+s11], $0x800, $0x38;
	[tilespmem:$0x1CA80] =	vst v63  }
0x7b: {  	_ =	swait.ge @!p1 [sflag:s9], $0x800  }
0x7c: {  	[sflag:s9] =	ssyncset.done @!p1 $0x0  }
0x7d: {  	s24 =	simm.s32 @!p1 $0x1200;
	s10 =	simm.s32 @!p1 $0x80;
	[sflag:s9] =	ssyncadd.s32 @!p1 $0xFFFFF800  }
0x7e: {  	[tilespmem:s24], [sflag:$0x1] =	stream.indirect.gather @!p1 [hbm4b:s0+s10], $0x80, s11, s10, $0xb8;
	[tilespmem:$0x1CA80] =	vst v63  }
0x7f: {  	p2 =	por $0x0, $0x0;
	s9 =	sadd.s32 $0x200, s6;
	s10 =	simm.s32 $0x20  }
0x80: {  	s24 =	simm.s32 $0x40;
	s11 =	sadd.s32 $0x200, s7;
	_ =	swait.ge [sflag:s5], $0x4000  }
.LBB2_4:
0x81: {  	[sflag:s5] =	ssyncset.done $0x0  }
0x82: {  	s6 =	simm.s32 @!p2 $0x4;
	[sflag:s5] =	ssyncadd.s32 $0xFFFFC000  }
0x83: {  	[spmem:s3] =	stream.indirect.scatter.add.f32 [tilespmem:s1], [sflag:$0x4], $0x80, s2, s30, $0xb8;
	[tilespmem:$0x1CA80] =	vst v63  }
0x84: {  	_ =	swait.ge @!p2 [sflag:s6], $0x4000  }
0x85: {  	[sflag:s6] =	ssyncset.done @!p2 $0x0;
	s7 =	rddreg [dreg:$0x5]  }
0x86: {  	[sflag:s6] =	ssyncadd.s32 @!p2 $0xFFFFC000;
	s12 =	sadd.s32 s10, s7  }
0x87: {  	[tilespmem:s30], [sflag:$0x5] =	stream.linear.gather [hbm4b:s12+s17], $0x80, $0x38;
	[tilespmem:$0x1CA80] =	vst v63  }
0x88: {  	_ =	swait.ge [sflag:s26], $0x80  }
0x89: {  	[sflag:s26] =	ssyncset.done $0x0  }
0x8a: {  	s13 =	sadd.s32 s10, s16;
	[sflag:s26] =	ssyncadd.s32 $0xFFFFFF80  }
0x8b: {  	[tilespmem:s2], [sflag:$0x5] =	stream.linear.gather [hbm4b:s13+s17], $0x80, $0x38;
	[tilespmem:$0x1CA80] =	vst v63  }
0x8c: {  	_ =	swait.ge [sflag:s26], $0x80  }
0x8d: {  	[sflag:s26] =	ssyncset.done $0x0  }
0x8e: {  	[sflag:s26] =	ssyncadd.s32 $0xFFFFFF80  }
0x8f: {  	[tilespmem:s29], [sflag:$0x5] =	stream.linear.gather [hbm4b:s11+s17], $0x800, $0x38;
	[tilespmem:$0x1CA80] =	vst v63  }
0x90: {  	_ =	swait.ge [sflag:s26], $0x800  }
0x91: {  	[sflag:s26] =	ssyncset.done $0x0  }
0x92: {  	[sflag:s26] =	ssyncadd.s32 $0xFFFFF800  }
0x93: {  	[tilespmem:s1], [sflag:$0x2] =	stream.indirect.gather [hbm4b:s0+s30], $0x80, s30, s30, $0xb8;
	[tilespmem:$0x1CA80] =	vst v63  }
0x94: {  	_ =	swait.ge [sflag:s4], $0x4000  }
0x95: {  	p2 =	seq.s32 s10, $0x4E0;
	[sflag:s4] =	ssyncset.done $0x0  }
0x96: {  	s6 =	simm.s32 @!p2 $0x3;
	[sflag:s4] =	ssyncadd.s32 $0xFFFFC000  }
0x97: {  	[spmem:s3] =	stream.indirect.scatter.add.f32 [tilespmem:s31], [sflag:$0x3], $0x80, s28, s30, $0xb8;
	[tilespmem:$0x1CA80] =	vst v63  }
0x98: {  	_ =	swait.ge @!p2 [sflag:s6], $0x4000  }
0x99: {  	s7 =	sadd.s32 @!p2 s10, s15;
	[sflag:s6] =	ssyncset.done @!p2 $0x0  }
0x9a: {  	s12 =	simm.s32 @!p2 $0x0;
	[sflag:s6] =	ssyncadd.s32 @!p2 $0xFFFFC000;
	s6 =	simm.s32 @!p2 $0x5  }
0x9b: {  	[tilespmem:s12], [sflag:$0x5] =	stream.linear.gather @!p2 [hbm4b:s7+s12], $0x80, $0x38;
	[tilespmem:$0x1CA80] =	vst v63  }
0x9c: {  	_ =	swait.ge @!p2 [sflag:s6], $0x80  }
0x9d: {  	[sflag:s6] =	ssyncset.done @!p2 $0x0  }
0x9e: {  	s13 =	simm.s32 @!p2 $0x100;
	s7 =	sadd.s32 @!p2 s10, s14;
	[sflag:s6] =	ssyncadd.s32 @!p2 $0xFFFFFF80  }
0x9f: {  	[tilespmem:s13], [sflag:$0x5] =	stream.linear.gather @!p2 [hbm4b:s7+s12], $0x80, $0x38;
	[tilespmem:$0x1CA80] =	vst v63  }
0xa0: {  	_ =	swait.ge @!p2 [sflag:s6], $0x80  }
0xa1: {  	s25 =	smov.u32 s24;
	s24 =	sadd.s32 $0x20, s24;
	[sflag:s6] =	ssyncset.done @!p2 $0x0  }
0xa2: {  	p1 =	sne.s32 s24, $0x500;
	s7 =	simm.s32 @!p2 $0x200;
	[sflag:s6] =	ssyncadd.s32 @!p2 $0xFFFFFF80  }
0xa3: {  	[tilespmem:s7], [sflag:$0x5] =	stream.linear.gather @!p2 [hbm4b:s9+s12], $0x800, $0x38;
	[tilespmem:$0x1CA80] =	vst v63  }
.Ltmp1:
0xa4: {  	_ =	swait.ge @!p2 [sflag:s6], $0x800;
	(pc) =	sbr.rel @p1 .LBB2_4-.Ltmp1, $4  }
0xa5: {  	s11 =	sadd.s32 $0x200, s11;
	s10 =	smov.u32 s25;
	[sflag:s6] =	ssyncset.done @!p2 $0x0  }
0xa6: {  	s13 =	simm.s32 @!p2 $0x1200;
	s7 =	simm.s32 @!p2 $0x80;
	[sflag:s6] =	ssyncadd.s32 @!p2 $0xFFFFF800  }
0xa7: {  	[tilespmem:s13], [sflag:$0x1] =	stream.indirect.gather @!p2 [hbm4b:s0+s7], $0x80, s12, s7, $0xb8;
	[tilespmem:$0x1CA80] =	vst v63  }
0xa8: {  	s9 =	sadd.s32 $0x200, s9;
	p2 =	seq.s32 s10, $0x0;
	_ =	swait.ge [sflag:s5], $0x4000  }
0xa9: {  	[sflag:s5] =	ssyncset.done $0x0  }
0xaa: {  	s6 =	simm.s32 @!p2 $0x4;
	[sflag:s5] =	ssyncadd.s32 $0xFFFFC000  }
0xab: {  	[spmem:s3] =	stream.indirect.scatter.add.f32 [tilespmem:s1], [sflag:$0x4], $0x80, s2, s30, $0xb8;
	[tilespmem:$0x1CA80] =	vst v63  }
0xac: {  	_ =	swait.ge @!p2 [sflag:s6], $0x4000  }
0xad: {  	s7 =	rddreg [dreg:$0x5];
	[sflag:s6] =	ssyncset.done @!p2 $0x0  }
0xae: {  	[sflag:s6] =	ssyncadd.s32 @!p2 $0xFFFFC000;
	s25 =	sadd.s32 s10, s7  }
0xaf: {  	[tilespmem:s30], [sflag:$0x5] =	stream.linear.gather [hbm4b:s25+s17], $0x80, $0x38;
	[tilespmem:$0x1CA80] =	vst v63  }
0xb0: {  	_ =	swait.ge [sflag:s26], $0x80  }
0xb1: {  	[sflag:s26] =	ssyncset.done $0x0  }
0xb2: {  	s7 =	sadd.s32 s10, s16;
	[sflag:s26] =	ssyncadd.s32 $0xFFFFFF80  }
0xb3: {  	[tilespmem:s2], [sflag:$0x5] =	stream.linear.gather [hbm4b:s7+s17], $0x80, $0x38;
	[tilespmem:$0x1CA80] =	vst v63  }
0xb4: {  	_ =	swait.ge [sflag:s26], $0x80  }
0xb5: {  	[sflag:s26] =	ssyncset.done $0x0  }
0xb6: {  	[sflag:s26] =	ssyncadd.s32 $0xFFFFFF80  }
0xb7: {  	[tilespmem:s29], [sflag:$0x5] =	stream.linear.gather [hbm4b:s11+s17], $0x800, $0x38;
	[tilespmem:$0x1CA80] =	vst v63  }
0xb8: {  	_ =	swait.ge [sflag:s26], $0x800  }
0xb9: {  	[sflag:s26] =	ssyncset.done $0x0  }
0xba: {  	[sflag:s26] =	ssyncadd.s32 $0xFFFFF800  }
0xbb: {  	[tilespmem:s1], [sflag:$0x2] =	stream.indirect.gather [hbm4b:s0+s30], $0x80, s30, s30, $0xb8;
	[tilespmem:$0x1CA80] =	vst v63  }
0xbc: {  	_ =	swait.ge [sflag:s4], $0x4000  }
0xbd: {  	p1 =	seq.s32 s10, $0x4E0;
	[sflag:s4] =	ssyncset.done $0x0  }
0xbe: {  	s6 =	simm.s32 @!p1 $0x3;
	[sflag:s4] =	ssyncadd.s32 $0xFFFFC000  }
0xbf: {  	[spmem:s3] =	stream.indirect.scatter.add.f32 [tilespmem:s31], [sflag:$0x3], $0x80, s28, s30, $0xb8;
	[tilespmem:$0x1CA80] =	vst v63  }
0xc0: {  	_ =	swait.ge @!p1 [sflag:s6], $0x4000  }
0xc1: {  	s7 =	sadd.s32 @!p1 s10, s15;
	[sflag:s6] =	ssyncset.done @!p1 $0x0  }
0xc2: {  	s11 =	simm.s32 @!p1 $0x0;
	[sflag:s6] =	ssyncadd.s32 @!p1 $0xFFFFC000;
	s6 =	simm.s32 @!p1 $0x5  }
0xc3: {  	[tilespmem:s11], [sflag:$0x5] =	stream.linear.gather @!p1 [hbm4b:s7+s11], $0x80, $0x38;
	[tilespmem:$0x1CA80] =	vst v63  }
0xc4: {  	_ =	swait.ge @!p1 [sflag:s6], $0x80  }
0xc5: {  	[sflag:s6] =	ssyncset.done @!p1 $0x0  }
0xc6: {  	s7 =	sadd.s32 @!p1 s10, s14;
	s10 =	simm.s32 @!p1 $0x100;
	[sflag:s6] =	ssyncadd.s32 @!p1 $0xFFFFFF80  }
0xc7: {  	[tilespmem:s10], [sflag:$0x5] =	stream.linear.gather @!p1 [hbm4b:s7+s11], $0x80, $0x38;
	[tilespmem:$0x1CA80] =	vst v63  }
0xc8: {  	_ =	swait.ge @!p1 [sflag:s6], $0x80  }
0xc9: {  	[sflag:s6] =	ssyncset.done @!p1 $0x0  }
0xca: {  	s7 =	simm.s32 @!p1 $0x200;
	[sflag:s6] =	ssyncadd.s32 @!p1 $0xFFFFFF80  }
0xcb: {  	[tilespmem:s7], [sflag:$0x5] =	stream.linear.gather @!p1 [hbm4b:s9+s11], $0x800, $0x38;
	[tilespmem:$0x1CA80] =	vst v63  }
0xcc: {  	_ =	swait.ge @!p1 [sflag:s6], $0x800  }
0xcd: {  	[sflag:s6] =	ssyncset.done @!p1 $0x0  }
0xce: {  	s7 =	simm.s32 @!p1 $0x80;
	[sflag:s6] =	ssyncadd.s32 @!p1 $0xFFFFF800;
	s6 =	simm.s32 @!p1 $0x1200  }
0xcf: {  	[tilespmem:s6], [sflag:$0x1] =	stream.indirect.gather @!p1 [hbm4b:s0+s7], $0x80, s11, s7, $0xb8;
	[tilespmem:$0x1CA80] =	vst v63  }
0xd0: {  	_ =	swait.ge [sflag:s5], $0x4000  }
0xd1: {  	[sflag:s5] =	ssyncset.done $0x0  }
0xd2: {  	s9 =	simm.s32 $0x3;
	[sflag:s5] =	ssyncadd.s32 $0xFFFFC000  }
0xd3: {  	[spmem:s3] =	stream.indirect.scatter.add.f32 [tilespmem:s1], [sflag:$0x4], $0x80, s2, s30, $0xb8;
	[tilespmem:$0x1CA80] =	vst v63  }
0xd4: {  	_ =	swait.ge [sflag:s9], $0x4000  }
0xd5: {  	[sflag:s9] =	ssyncset.done $0x0  }
0xd6: {  	s10 =	simm.s32 $0x4;
	[sflag:s9] =	ssyncadd.s32 $0xFFFFC000  }
0xd7: {  	_ =	swait.ge [sflag:s10], $0x4000  }
0xd8: {  	[sflag:s10] =	ssyncset.done $0x0  }
0xd9: {  	s11 =	stileid.u32;
	[sflag:s10] =	ssyncadd.s32 $0xFFFFC000  }
0xda: {  	s6 =	sshll.u32 s11, $0x6;
	[bflag:$0x0] =	sbarrier.arrive $0xFFFF  }
0xdb: {  	s12 =	sshrl.u32 s18, $0x3;
	s6 =	sor.u32 $0x1C05, s6;
	s13 =	rddreg [dreg:$0x9]  }
0xdc: {  	[hbm:s13], [sflag:s6] =	dma.local [spmem:s12], $0x800  }
0xdd: {  	_ =	swait.ge [sflag:s26], $0x800  }
0xde: {  	[sflag:s26] =	ssyncset.done $0x0  }
0xdf: {  	s24 =	sshrl.u32 s19, $0x3;
	s25 =	rddreg [dreg:$0xa];
	[sflag:s26] =	ssyncadd.s32 $0xFFFFF800  }
0xe0: {  	[hbm:s25], [sflag:s6] =	dma.local [spmem:s24], $0x800  }
0xe1: {  	_ =	swait.ge [sflag:s26], $0x800  }
0xe2: {  	[sflag:s26] =	ssyncset.done $0x0  }
0xe3: {  	s9 =	sshrl.u32 s20, $0x3;
	s10 =	rddreg [dreg:$0xb];
	[sflag:s26] =	ssyncadd.s32 $0xFFFFF800  }
0xe4: {  	[hbm:s10], [sflag:s6] =	dma.local [spmem:s9], $0x800  }
0xe5: {  	_ =	swait.ge [sflag:s26], $0x800  }
0xe6: {  	[sflag:s26] =	ssyncset.done $0x0  }
0xe7: {  	s11 =	sshrl.u32 s21, $0x3;
	s12 =	rddreg [dreg:$0xc];
	[sflag:s26] =	ssyncadd.s32 $0xFFFFF800  }
0xe8: {  	[hbm:s12], [sflag:s6] =	dma.local [spmem:s11], $0x800  }
0xe9: {  	_ =	swait.ge [sflag:s26], $0x800  }
0xea: {  	[sflag:s26] =	ssyncset.done $0x0  }
0xeb: {  	s13 =	sshrl.u32 s22, $0x3;
	s24 =	rddreg [dreg:$0xd];
	[sflag:s26] =	ssyncadd.s32 $0xFFFFF800  }
0xec: {  	[hbm:s24], [sflag:s6] =	dma.local [spmem:s13], $0x700  }
0xed: {  	_ =	swait.ge [sflag:s26], $0x700  }
0xee: {  	[sflag:s26] =	ssyncset.done $0x0  }
0xef: {  	s7 =	sshrl.u32 @!p0 s23, $0x3;
	s9 =	rddreg [dreg:$0x10];
	[sflag:s26] =	ssyncadd.s32 $0xFFFFF900  }
0xf0: {  	[hbm:s9], [sflag:s6] =	dma.local @!p0 [spmem:s7], $0x100  }
0xf1: {  	s6 =	simm.s32 @!p0 $0x5  }
0xf2: {  	_ =	swait.ge @!p0 [sflag:s6], $0x100  }
0xf3: {  	s8 =	sadd.s32 $0x1, s8;
	s25 =	rddreg [dreg:$0x11]  }
0xf4: {  	p1 =	sne.s32 s8, s25  }
.Ltmp2:
0xf5: {  	_ = 	snop;
	(pc) =	sbr.rel @p1 .LBB2_1-.Ltmp2, $3  }
0xf6: {  	_ =	sdelay $0x1  }
0xf7: {  	[sflag:s6] =	ssyncset.done @!p0 $0x0  }
0xf8: {  	[sflag:s6] =	ssyncadd.s32 @!p0 $0xFFFFFF00  }
0xf9: {  	_ =	sfence.sel $0x180000  }
0xfa: {  	[bflag:$0x0] =	sbarrier.arrive $0xFFFF  }
0xfb: {  	_ =	strace $0x90000047  }
0xfc: {  	s0 =	stileid.u32;
	[bflag:$0x2] =	sbarrier.arrive $0xFFFF  }
0xfd: {  	p0 =	sne.s32 s0, $0x0;
	s0 =	rddreg [dreg:$0x4]  }
0xfe: {  	s0 =	sadd.s32 @!p0 $0x100000, s0  }
0xff: {  	[sflag:s0] =	ssyncadd.tile.s32 @!p0 $0x1;
	_ =	shalt  }
.Lfunc_end2:
_tile_overlayer_lowered:
.L_overlay_start_2:
0x100: {  	(tag) =	ssettag $0x2  }
0x101: {  	s0 =	rddreg [dreg:$0x0];
	s2 =	stileid.u32  }
0x102: {  	s1 =	rddreg [dreg:$0x1];
	p0 =	sne.s32 s2, $0x0  }
0x103: {  	s3 =	rddreg [dreg:$0x2];
	[bflag:$0x3] =	sbarrier.arrive $0xFFFF;
	s2 =	simm.s32 @!p0 $0x1C05  }
0x104: {  	[timem:s3], [sflag:s2] =	dma.local @!p0 [hbm:s0], s1  }
0x105: {  	s0 =	simm.s32 @!p0 $0x5  }
0x106: {  	_ =	swait.ge @!p0 [sflag:s0], s1  }
0x107: {  	s1 =	ssub.s32 @!p0 $0x0, s1;
	[sflag:s0] =	ssyncset.done @!p0 $0x0  }
0x108: {  	[sflag:s0] =	ssyncadd.s32 @!p0 s1  }
0x109: {  	[bflag:$0x3] =	sbarrier.arrive $0xFFFF  }
0x10a: {  	_ =	shalt  }

</sc_bundles>
